<compile_context>
chip_gen: v7x
topology: tpu7x:2x2x1
jax: 0.10.2.dev20260603
libtpu: 0.0.44.dev20260713+nightly
codegen_flags: <defaults>
</compile_context>

<pallas_src>
import jax
import jax.numpy as jnp
from jax import lax
from jax.experimental import pallas as pl
from jax.experimental.pallas import tpu as pltpu
from jax.experimental.pallas import tpu_sc as plsc

NUM_CORES = 2
NUM_SUBCORES = 16
NUM_WORKERS = NUM_CORES * NUM_SUBCORES
LANES = 16

BATCH = 16384
HIDDEN = 128
ROWS_PER_WORKER = BATCH // NUM_WORKERS
CHUNK = 128
NUM_CHUNKS = ROWS_PER_WORKER // CHUNK
NBUF = 3
LAG = 2


def _mf_body(user_ids, item_ids, user_table, item_table, out_hbm,
             uidx, iidx, urows, irows, out_v,
             sem_uidx, sem_iidx, sem_urows, sem_irows):
  wid = lax.axis_index("s") * NUM_CORES + lax.axis_index("c")
  base = wid * ROWS_PER_WORKER

  pltpu.async_copy(user_ids.at[pl.ds(base, ROWS_PER_WORKER)], uidx, sem_uidx)
  pltpu.async_copy(item_ids.at[pl.ds(base, ROWS_PER_WORKER)], iidx, sem_iidx)

  def start_rows(c, p):
    pltpu.async_copy(user_table.at[uidx.at[pl.ds(c * CHUNK, CHUNK)]],
                     urows.at[pl.ds(p * CHUNK, CHUNK)], sem_urows.at[p])
    pltpu.async_copy(item_table.at[iidx.at[pl.ds(c * CHUNK, CHUNK)]],
                     irows.at[pl.ds(p * CHUNK, CHUNK)], sem_irows.at[p])

  def wait_rows(c, p):
    pltpu.make_async_copy(user_table.at[uidx.at[pl.ds(c * CHUNK, CHUNK)]],
                          urows.at[pl.ds(p * CHUNK, CHUNK)],
                          sem_urows.at[p]).wait()
    pltpu.make_async_copy(item_table.at[iidx.at[pl.ds(c * CHUNK, CHUNK)]],
                          irows.at[pl.ds(p * CHUNK, CHUNK)],
                          sem_irows.at[p]).wait()

  lane = lax.iota(jnp.int32, LANES)
  perms = [jnp.bitwise_xor(lane, k) for k in (8, 4, 2, 1)]
  mask0 = lane == 0

  def compute_chunk(cm):
    roff = lax.rem(cm, NBUF) * CHUNK

    @plsc.parallel_loop(0, CHUNK, unroll=2)
    def _(r):
      q = roff + r
      prods = [urows[q, pl.ds(j * LANES, LANES)] *
               irows[q, pl.ds(j * LANES, LANES)]
               for j in range(HIDDEN // LANES)]
      while len(prods) > 1:
        prods = [prods[i] + prods[i + 1] for i in range(0, len(prods), 2)]
      s = prods[0]
      for pm in perms:
        s = s + jnp.take_along_axis(s, pm, axis=0)
      rowid = jnp.full((LANES,), cm * CHUNK + r, jnp.int32)
      plsc.store_scatter(out_v, [rowid], s, mask=mask0)

  pltpu.make_async_copy(user_ids.at[pl.ds(base, ROWS_PER_WORKER)], uidx,
                        sem_uidx).wait()
  pltpu.make_async_copy(item_ids.at[pl.ds(base, ROWS_PER_WORKER)], iidx,
                        sem_iidx).wait()

  def pipe_body(c, _):
    ms = lax.rem(c, NBUF)
    mw = lax.rem(c - LAG + NBUF, NBUF)

    for b in range(NBUF):
      @pl.when(jnp.logical_and(c < NUM_CHUNKS, ms == b))
      def _(b=b):
        start_rows(c, b)

    for b in range(NBUF):
      @pl.when(jnp.logical_and(c >= LAG, mw == b))
      def _(b=b):
        wait_rows(c - LAG, b)

    @pl.when(c >= LAG)
    def _():
      compute_chunk(c - LAG)

    return 0

  lax.fori_loop(0, NUM_CHUNKS + LAG, pipe_body, 0)

  pltpu.sync_copy(out_v, out_hbm.at[pl.ds(base, ROWS_PER_WORKER)])


@jax.jit
def _mf_scores(batch_user_ids, batch_item_ids, user_table, item_table):
  mesh = plsc.VectorSubcoreMesh(
      core_axis_name="c", subcore_axis_name="s",
      num_cores=NUM_CORES, num_subcores=NUM_SUBCORES)
  grid_kernel = pl.kernel(
      _mf_body,
      out_type=jax.ShapeDtypeStruct((BATCH,), jnp.float32),
      mesh=mesh,
      compiler_params=pltpu.CompilerParams(needs_layout_passes=False),
      scratch_types=[
          pltpu.VMEM((ROWS_PER_WORKER,), jnp.int32),
          pltpu.VMEM((ROWS_PER_WORKER,), jnp.int32),
          pltpu.VMEM((NBUF * CHUNK, HIDDEN), jnp.float32),
          pltpu.VMEM((NBUF * CHUNK, HIDDEN), jnp.float32),
          pltpu.VMEM((ROWS_PER_WORKER,), jnp.float32),
          pltpu.SemaphoreType.DMA,
          pltpu.SemaphoreType.DMA,
          pltpu.SemaphoreType.DMA((NBUF,)),
          pltpu.SemaphoreType.DMA((NBUF,)),
      ],
  )
  return grid_kernel(batch_user_ids, batch_item_ids, user_table, item_table)


def kernel(batch_user_ids, batch_item_ids, user_table, item_table):
  return _mf_scores(batch_user_ids, batch_item_ids, user_table, item_table)

# --- scband reference (transcript-rebuilt; emitter-appended) ---
"""Pipeline reference for scband-mf-netflix-25847113187496 (READ-ONLY COPY).

The authoritative reference and input builder live on the scoring server;
editing this copy changes nothing except your own understanding.
"""

import jax, jax.numpy as jnp
import numpy as np

USER_COUNT = 1000000
ITEM_COUNT = 100000
HIDDEN_DIM = 128
BATCH = 16384


def setup_inputs(seed: int = 0) -> dict:
    key = jax.random.key(seed)
    k1, k2, k3, k4 = jax.random.split(key, 4)
    batch_user_ids = jax.random.randint(k1, (BATCH,), 0, USER_COUNT, dtype=jnp.int64 if jax.config.jax_enable_x64 else jnp.int32)
    batch_item_ids = jax.random.randint(k2, (BATCH,), 0, ITEM_COUNT, dtype=jnp.int64 if jax.config.jax_enable_x64 else jnp.int32)
    user_table = jax.random.normal(k3, (USER_COUNT, HIDDEN_DIM), dtype=jnp.float32) * 0.05
    item_table = jax.random.normal(k4, (ITEM_COUNT, HIDDEN_DIM), dtype=jnp.float32) * 0.05
    return {
        "batch_user_ids": batch_user_ids,
        "batch_item_ids": batch_item_ids,
        "user_table": user_table,
        "item_table": item_table,
    }


def reference(batch_user_ids, batch_item_ids, user_table, item_table):
    # Embedding lookups (gather)
    batch_user_emb = jnp.take(user_table, batch_user_ids, axis=0)
    batch_item_emb = jnp.take(item_table, batch_item_ids, axis=0)
    # Elementwise product + reduce over hidden dim -> dot-product score per example
    batch_score = jnp.sum(batch_user_emb * batch_item_emb, axis=1)
    return batch_score

if __name__ == "__main__":
    import jax
    _d = setup_inputs()
    print(jax.jit(kernel)(*tuple(_d.values())))

</pallas_src>

<mosaic_0001>
#map = affine_map<(d0, d1) -> (0)>
#map1 = affine_map<(d0, d1) -> (0, 0)>
module attributes {stable_mosaic.version = 14 : i64} {
  func.func @_mf_body(%arg0: i32, %arg1: i32, %arg2: memref<16384xi32, #tpu.memory_space<hbm>>, %arg3: memref<16384xi32, #tpu.memory_space<hbm>>, %arg4: memref<1000000x128xf32, #tpu.memory_space<hbm>>, %arg5: memref<100000x128xf32, #tpu.memory_space<hbm>>, %arg6: memref<16384xf32, #tpu.memory_space<hbm>>, %arg7: memref<512xi32, #tpu.memory_space<vmem>>, %arg8: memref<512xi32, #tpu.memory_space<vmem>>, %arg9: memref<384x128xf32, #tpu.memory_space<vmem>>, %arg10: memref<384x128xf32, #tpu.memory_space<vmem>>, %arg11: memref<512xf32, #tpu.memory_space<vmem>>, %arg12: memref<!tpu.dma_semaphore, #tpu.memory_space<semaphore_mem>>, %arg13: memref<!tpu.dma_semaphore, #tpu.memory_space<semaphore_mem>>, %arg14: memref<3x!tpu.dma_semaphore, #tpu.memory_space<semaphore_mem>>, %arg15: memref<3x!tpu.dma_semaphore, #tpu.memory_space<semaphore_mem>>) attributes {dimension_semantics = [#tpu.dimension_semantics<core_parallel>, #tpu.dimension_semantics<subcore_parallel>], iteration_bounds = array<i64: 2, 16>, scalar_prefetch = 0 : i64, scratch_operands = 9 : i64, tpu.core_type = #tpu.core_type<sc_vector_subcore>, window_params = [{transform_indices = #map}, {transform_indices = #map}, {transform_indices = #map1}, {transform_indices = #map1}, {transform_indices = #map}]} {
    %mul3A = arith.constant 2 : i32
    %mul3A_0 = arith.muli %arg1, %mul3A : i32
    %add3A = arith.addi %mul3A_0, %arg0 : i32
    %mul3A_1 = arith.constant 512 : i32
    %mul3A_2 = arith.muli %add3A, %mul3A_1 : i32
    %dma_start3A = tpu.memref_slice %arg2[%mul3A_2] : memref<16384xi32, #tpu.memory_space<hbm>> -> memref<512xi32, #tpu.memory_space<hbm>>
    %dma_start3A_3 = tpu.memref_slice %arg2[%mul3A_2] : memref<16384xi32, #tpu.memory_space<hbm>> -> memref<512xi32, #tpu.memory_space<hbm>>
    tpu.enqueue_dma source(%dma_start3A_3 : memref<512xi32, #tpu.memory_space<hbm>>) target(%arg7 : memref<512xi32, #tpu.memory_space<vmem>>) target_semaphore(%arg12 : memref<!tpu.dma_semaphore, #tpu.memory_space<semaphore_mem>>)
    %dma_start3A_4 = tpu.memref_slice %arg3[%mul3A_2] : memref<16384xi32, #tpu.memory_space<hbm>> -> memref<512xi32, #tpu.memory_space<hbm>>
    %dma_start3A_5 = tpu.memref_slice %arg3[%mul3A_2] : memref<16384xi32, #tpu.memory_space<hbm>> -> memref<512xi32, #tpu.memory_space<hbm>>
    tpu.enqueue_dma source(%dma_start3A_5 : memref<512xi32, #tpu.memory_space<hbm>>) target(%arg8 : memref<512xi32, #tpu.memory_space<vmem>>) target_semaphore(%arg13 : memref<!tpu.dma_semaphore, #tpu.memory_space<semaphore_mem>>)
    %iota3A = tpu.iota {dimensions = array<i32: 0>} : vector<16xi32>
    %xor3A = arith.constant 8 : i32
    %xor3A_6 = vector.broadcast %xor3A : i32 to vector<16xi32>
    %xor3A_7 = arith.xori %iota3A, %xor3A_6 : vector<16xi32>
    %xor3A_8 = arith.constant 4 : i32
    %xor3A_9 = vector.broadcast %xor3A_8 : i32 to vector<16xi32>
    %xor3A_10 = arith.xori %iota3A, %xor3A_9 : vector<16xi32>
    %xor3A_11 = arith.constant 2 : i32
    %xor3A_12 = vector.broadcast %xor3A_11 : i32 to vector<16xi32>
    %xor3A_13 = arith.xori %iota3A, %xor3A_12 : vector<16xi32>
    %xor3A_14 = arith.constant 1 : i32
    %xor3A_15 = vector.broadcast %xor3A_14 : i32 to vector<16xi32>
    %xor3A_16 = arith.xori %iota3A, %xor3A_15 : vector<16xi32>
    %eq3A = arith.constant 0 : i32
    %eq3A_17 = vector.broadcast %eq3A : i32 to vector<16xi32>
    %eq3A_18 = arith.cmpi eq, %iota3A, %eq3A_17 : vector<16xi32>
    %dma_wait3A = tpu.memref_slice %arg2[%mul3A_2] : memref<16384xi32, #tpu.memory_space<hbm>> -> memref<512xi32, #tpu.memory_space<hbm>>
    %dma_wait3A_19 = tpu.memref_slice %arg2[%mul3A_2] : memref<16384xi32, #tpu.memory_space<hbm>> -> memref<512xi32, #tpu.memory_space<hbm>>
    tpu.wait_dma2 semaphore(%arg12 : memref<!tpu.dma_semaphore, #tpu.memory_space<semaphore_mem>>) src(%dma_wait3A_19 : memref<512xi32, #tpu.memory_space<hbm>>) dst(%arg7 : memref<512xi32, #tpu.memory_space<vmem>>)
    %dma_wait3A_20 = tpu.memref_slice %arg3[%mul3A_2] : memref<16384xi32, #tpu.memory_space<hbm>> -> memref<512xi32, #tpu.memory_space<hbm>>
    %dma_wait3A_21 = tpu.memref_slice %arg3[%mul3A_2] : memref<16384xi32, #tpu.memory_space<hbm>> -> memref<512xi32, #tpu.memory_space<hbm>>
    tpu.wait_dma2 semaphore(%arg13 : memref<!tpu.dma_semaphore, #tpu.memory_space<semaphore_mem>>) src(%dma_wait3A_21 : memref<512xi32, #tpu.memory_space<hbm>>) dst(%arg8 : memref<512xi32, #tpu.memory_space<vmem>>)
    %scan3A = arith.constant 0 : i32
    %scan3A_22 = arith.constant 0 : i32
    %scan3A_23 = arith.constant 6 : i32
    %scan3A_24 = arith.addi %scan3A_22, %scan3A_23 : i32
    %scan3A_25 = arith.constant 1 : i32
    %scan3A_26 = scf.for %scan3A_28 = %scan3A_22 to %scan3A_24 step %scan3A_25 iter_args(%scan3A_29 = %scan3A) -> (i32)  : i32 {
      %rem3A = arith.constant 3 : i32
      %rem3A_30 = arith.remsi %scan3A_28, %rem3A : i32
      %sub3A = arith.constant 2 : i32
      %sub3A_31 = arith.subi %scan3A_28, %sub3A : i32
      %add3A_32 = arith.constant 3 : i32
      %add3A_33 = arith.addi %sub3A_31, %add3A_32 : i32
      %rem3A_34 = arith.constant 3 : i32
      %rem3A_35 = arith.remsi %add3A_33, %rem3A_34 : i32
      %lt3A = arith.constant 4 : i32
      %lt3A_36 = arith.cmpi slt, %scan3A_28, %lt3A : i32
      %eq3A_37 = arith.constant 0 : i32
      %eq3A_38 = arith.cmpi eq, %rem3A_30, %eq3A_37 : i32
      %and3A = arith.andi %lt3A_36, %eq3A_38 : i1
      %convert_element_type3A = arith.extui %and3A : i1 to i32
      %cond3A = arith.constant 0 : i32
      %cond3A_39 = arith.cmpi ne, %convert_element_type3A, %cond3A : i32
      scf.if %cond3A_39 {
        %mul3A_85 = arith.constant 128 : i32
        %mul3A_86 = arith.muli %scan3A_28, %mul3A_85 : i32
        %dma_start3A_87 = arith.constant 0 : i32
        %dma_start3A_88 = arith.constant 0 : i32
        %dma_start3A_89 = arith.constant 0 : i32
        %dma_start3A_90 = tpu.memref_slice %arg9[%dma_start3A_88, %dma_start3A_89] : memref<384x128xf32, #tpu.memory_space<vmem>> -> memref<128x128xf32, #tpu.memory_space<vmem>>
        %dma_start3A_91 = tpu.memref_slice %arg7[%mul3A_86] : memref<512xi32, #tpu.memory_space<vmem>> -> memref<128xi32, #tpu.memory_space<vmem>>
        %dma_start3A_92 = arith.constant 0 : i32
        %dma_start3A_93 = arith.constant 0 : i32
        %dma_start3A_94 = tpu.memref_slice %arg4[%dma_start3A_92, %dma_start3A_93] : memref<1000000x128xf32, #tpu.memory_space<hbm>> -> memref<1000000x128xf32, #tpu.memory_space<hbm>>
        %dma_start3A_95 = tpu.memref_slice %arg14[%dma_start3A_87] : memref<3x!tpu.dma_semaphore, #tpu.memory_space<semaphore_mem>> -> memref<1x!tpu.dma_semaphore, #tpu.memory_space<semaphore_mem>>
        %dma_start3A_96 = tpu.memref_squeeze %dma_start3A_95 : memref<1x!tpu.dma_semaphore, #tpu.memory_space<semaphore_mem>> -> memref<!tpu.dma_semaphore, #tpu.memory_space<semaphore_mem>>
        tpu.enqueue_indirect_dma source(%dma_start3A_94 : memref<1000000x128xf32, #tpu.memory_space<hbm>>) target(%dma_start3A_90 : memref<128x128xf32, #tpu.memory_space<vmem>>) offsets(%dma_start3A_91 : memref<128xi32, #tpu.memory_space<vmem>>) semaphore(%dma_start3A_96 : memref<!tpu.dma_semaphore, #tpu.memory_space<semaphore_mem>>)
        %mul3A_97 = arith.constant 128 : i32
        %mul3A_98 = arith.muli %scan3A_28, %mul3A_97 : i32
        %dma_start3A_99 = arith.constant 0 : i32
        %dma_start3A_100 = arith.constant 0 : i32
        %dma_start3A_101 = arith.constant 0 : i32
        %dma_start3A_102 = tpu.memref_slice %arg10[%dma_start3A_100, %dma_start3A_101] : memref<384x128xf32, #tpu.memory_space<vmem>> -> memref<128x128xf32, #tpu.memory_space<vmem>>
        %dma_start3A_103 = tpu.memref_slice %arg8[%mul3A_98] : memref<512xi32, #tpu.memory_space<vmem>> -> memref<128xi32, #tpu.memory_space<vmem>>
        %dma_start3A_104 = arith.constant 0 : i32
        %dma_start3A_105 = arith.constant 0 : i32
        %dma_start3A_106 = tpu.memref_slice %arg5[%dma_start3A_104, %dma_start3A_105] : memref<100000x128xf32, #tpu.memory_space<hbm>> -> memref<100000x128xf32, #tpu.memory_space<hbm>>
        %dma_start3A_107 = tpu.memref_slice %arg15[%dma_start3A_99] : memref<3x!tpu.dma_semaphore, #tpu.memory_space<semaphore_mem>> -> memref<1x!tpu.dma_semaphore, #tpu.memory_space<semaphore_mem>>
        %dma_start3A_108 = tpu.memref_squeeze %dma_start3A_107 : memref<1x!tpu.dma_semaphore, #tpu.memory_space<semaphore_mem>> -> memref<!tpu.dma_semaphore, #tpu.memory_space<semaphore_mem>>
        tpu.enqueue_indirect_dma source(%dma_start3A_106 : memref<100000x128xf32, #tpu.memory_space<hbm>>) target(%dma_start3A_102 : memref<128x128xf32, #tpu.memory_space<vmem>>) offsets(%dma_start3A_103 : memref<128xi32, #tpu.memory_space<vmem>>) semaphore(%dma_start3A_108 : memref<!tpu.dma_semaphore, #tpu.memory_space<semaphore_mem>>)
      } else {
      }
      %lt3A_40 = arith.constant 4 : i32
      %lt3A_41 = arith.cmpi slt, %scan3A_28, %lt3A_40 : i32
      %eq3A_42 = arith.constant 1 : i32
      %eq3A_43 = arith.cmpi eq, %rem3A_30, %eq3A_42 : i32
      %and3A_44 = arith.andi %lt3A_41, %eq3A_43 : i1
      %convert_element_type3A_45 = arith.extui %and3A_44 : i1 to i32
      %cond3A_46 = arith.constant 0 : i32
      %cond3A_47 = arith.cmpi ne, %convert_element_type3A_45, %cond3A_46 : i32
      scf.if %cond3A_47 {
        %mul3A_85 = arith.constant 128 : i32
        %mul3A_86 = arith.muli %scan3A_28, %mul3A_85 : i32
        %dma_start3A_87 = arith.constant 1 : i32
        %dma_start3A_88 = arith.constant 128 : i32
        %dma_start3A_89 = arith.constant 0 : i32
        %dma_start3A_90 = tpu.memref_slice %arg9[%dma_start3A_88, %dma_start3A_89] : memref<384x128xf32, #tpu.memory_space<vmem>> -> memref<128x128xf32, #tpu.memory_space<vmem>>
        %dma_start3A_91 = tpu.memref_slice %arg7[%mul3A_86] : memref<512xi32, #tpu.memory_space<vmem>> -> memref<128xi32, #tpu.memory_space<vmem>>
        %dma_start3A_92 = arith.constant 0 : i32
        %dma_start3A_93 = arith.constant 0 : i32
        %dma_start3A_94 = tpu.memref_slice %arg4[%dma_start3A_92, %dma_start3A_93] : memref<1000000x128xf32, #tpu.memory_space<hbm>> -> memref<1000000x128xf32, #tpu.memory_space<hbm>>
        %dma_start3A_95 = tpu.memref_slice %arg14[%dma_start3A_87] : memref<3x!tpu.dma_semaphore, #tpu.memory_space<semaphore_mem>> -> memref<1x!tpu.dma_semaphore, #tpu.memory_space<semaphore_mem>>
        %dma_start3A_96 = tpu.memref_squeeze %dma_start3A_95 : memref<1x!tpu.dma_semaphore, #tpu.memory_space<semaphore_mem>> -> memref<!tpu.dma_semaphore, #tpu.memory_space<semaphore_mem>>
        tpu.enqueue_indirect_dma source(%dma_start3A_94 : memref<1000000x128xf32, #tpu.memory_space<hbm>>) target(%dma_start3A_90 : memref<128x128xf32, #tpu.memory_space<vmem>>) offsets(%dma_start3A_91 : memref<128xi32, #tpu.memory_space<vmem>>) semaphore(%dma_start3A_96 : memref<!tpu.dma_semaphore, #tpu.memory_space<semaphore_mem>>)
        %mul3A_97 = arith.constant 128 : i32
        %mul3A_98 = arith.muli %scan3A_28, %mul3A_97 : i32
        %dma_start3A_99 = arith.constant 1 : i32
        %dma_start3A_100 = arith.constant 128 : i32
        %dma_start3A_101 = arith.constant 0 : i32
        %dma_start3A_102 = tpu.memref_slice %arg10[%dma_start3A_100, %dma_start3A_101] : memref<384x128xf32, #tpu.memory_space<vmem>> -> memref<128x128xf32, #tpu.memory_space<vmem>>
        %dma_start3A_103 = tpu.memref_slice %arg8[%mul3A_98] : memref<512xi32, #tpu.memory_space<vmem>> -> memref<128xi32, #tpu.memory_space<vmem>>
        %dma_start3A_104 = arith.constant 0 : i32
        %dma_start3A_105 = arith.constant 0 : i32
        %dma_start3A_106 = tpu.memref_slice %arg5[%dma_start3A_104, %dma_start3A_105] : memref<100000x128xf32, #tpu.memory_space<hbm>> -> memref<100000x128xf32, #tpu.memory_space<hbm>>
        %dma_start3A_107 = tpu.memref_slice %arg15[%dma_start3A_99] : memref<3x!tpu.dma_semaphore, #tpu.memory_space<semaphore_mem>> -> memref<1x!tpu.dma_semaphore, #tpu.memory_space<semaphore_mem>>
        %dma_start3A_108 = tpu.memref_squeeze %dma_start3A_107 : memref<1x!tpu.dma_semaphore, #tpu.memory_space<semaphore_mem>> -> memref<!tpu.dma_semaphore, #tpu.memory_space<semaphore_mem>>
        tpu.enqueue_indirect_dma source(%dma_start3A_106 : memref<100000x128xf32, #tpu.memory_space<hbm>>) target(%dma_start3A_102 : memref<128x128xf32, #tpu.memory_space<vmem>>) offsets(%dma_start3A_103 : memref<128xi32, #tpu.memory_space<vmem>>) semaphore(%dma_start3A_108 : memref<!tpu.dma_semaphore, #tpu.memory_space<semaphore_mem>>)
      } else {
      }
      %lt3A_48 = arith.constant 4 : i32
      %lt3A_49 = arith.cmpi slt, %scan3A_28, %lt3A_48 : i32
      %eq3A_50 = arith.constant 2 : i32
      %eq3A_51 = arith.cmpi eq, %rem3A_30, %eq3A_50 : i32
      %and3A_52 = arith.andi %lt3A_49, %eq3A_51 : i1
      %convert_element_type3A_53 = arith.extui %and3A_52 : i1 to i32
      %cond3A_54 = arith.constant 0 : i32
      %cond3A_55 = arith.cmpi ne, %convert_element_type3A_53, %cond3A_54 : i32
      scf.if %cond3A_55 {
        %mul3A_85 = arith.constant 128 : i32
        %mul3A_86 = arith.muli %scan3A_28, %mul3A_85 : i32
        %dma_start3A_87 = arith.constant 2 : i32
        %dma_start3A_88 = arith.constant 256 : i32
        %dma_start3A_89 = arith.constant 0 : i32
        %dma_start3A_90 = tpu.memref_slice %arg9[%dma_start3A_88, %dma_start3A_89] : memref<384x128xf32, #tpu.memory_space<vmem>> -> memref<128x128xf32, #tpu.memory_space<vmem>>
        %dma_start3A_91 = tpu.memref_slice %arg7[%mul3A_86] : memref<512xi32, #tpu.memory_space<vmem>> -> memref<128xi32, #tpu.memory_space<vmem>>
        %dma_start3A_92 = arith.constant 0 : i32
        %dma_start3A_93 = arith.constant 0 : i32
        %dma_start3A_94 = tpu.memref_slice %arg4[%dma_start3A_92, %dma_start3A_93] : memref<1000000x128xf32, #tpu.memory_space<hbm>> -> memref<1000000x128xf32, #tpu.memory_space<hbm>>
        %dma_start3A_95 = tpu.memref_slice %arg14[%dma_start3A_87] : memref<3x!tpu.dma_semaphore, #tpu.memory_space<semaphore_mem>> -> memref<1x!tpu.dma_semaphore, #tpu.memory_space<semaphore_mem>>
        %dma_start3A_96 = tpu.memref_squeeze %dma_start3A_95 : memref<1x!tpu.dma_semaphore, #tpu.memory_space<semaphore_mem>> -> memref<!tpu.dma_semaphore, #tpu.memory_space<semaphore_mem>>
        tpu.enqueue_indirect_dma source(%dma_start3A_94 : memref<1000000x128xf32, #tpu.memory_space<hbm>>) target(%dma_start3A_90 : memref<128x128xf32, #tpu.memory_space<vmem>>) offsets(%dma_start3A_91 : memref<128xi32, #tpu.memory_space<vmem>>) semaphore(%dma_start3A_96 : memref<!tpu.dma_semaphore, #tpu.memory_space<semaphore_mem>>)
        %mul3A_97 = arith.constant 128 : i32
        %mul3A_98 = arith.muli %scan3A_28, %mul3A_97 : i32
        %dma_start3A_99 = arith.constant 2 : i32
        %dma_start3A_100 = arith.constant 256 : i32
        %dma_start3A_101 = arith.constant 0 : i32
        %dma_start3A_102 = tpu.memref_slice %arg10[%dma_start3A_100, %dma_start3A_101] : memref<384x128xf32, #tpu.memory_space<vmem>> -> memref<128x128xf32, #tpu.memory_space<vmem>>
        %dma_start3A_103 = tpu.memref_slice %arg8[%mul3A_98] : memref<512xi32, #tpu.memory_space<vmem>> -> memref<128xi32, #tpu.memory_space<vmem>>
        %dma_start3A_104 = arith.constant 0 : i32
        %dma_start3A_105 = arith.constant 0 : i32
        %dma_start3A_106 = tpu.memref_slice %arg5[%dma_start3A_104, %dma_start3A_105] : memref<100000x128xf32, #tpu.memory_space<hbm>> -> memref<100000x128xf32, #tpu.memory_space<hbm>>
        %dma_start3A_107 = tpu.memref_slice %arg15[%dma_start3A_99] : memref<3x!tpu.dma_semaphore, #tpu.memory_space<semaphore_mem>> -> memref<1x!tpu.dma_semaphore, #tpu.memory_space<semaphore_mem>>
        %dma_start3A_108 = tpu.memref_squeeze %dma_start3A_107 : memref<1x!tpu.dma_semaphore, #tpu.memory_space<semaphore_mem>> -> memref<!tpu.dma_semaphore, #tpu.memory_space<semaphore_mem>>
        tpu.enqueue_indirect_dma source(%dma_start3A_106 : memref<100000x128xf32, #tpu.memory_space<hbm>>) target(%dma_start3A_102 : memref<128x128xf32, #tpu.memory_space<vmem>>) offsets(%dma_start3A_103 : memref<128xi32, #tpu.memory_space<vmem>>) semaphore(%dma_start3A_108 : memref<!tpu.dma_semaphore, #tpu.memory_space<semaphore_mem>>)
      } else {
      }
      %ge3A = arith.constant 2 : i32
      %ge3A_56 = arith.cmpi sge, %scan3A_28, %ge3A : i32
      %eq3A_57 = arith.constant 0 : i32
      %eq3A_58 = arith.cmpi eq, %rem3A_35, %eq3A_57 : i32
      %and3A_59 = arith.andi %ge3A_56, %eq3A_58 : i1
      %convert_element_type3A_60 = arith.extui %and3A_59 : i1 to i32
      %cond3A_61 = arith.constant 0 : i32
      %cond3A_62 = arith.cmpi ne, %convert_element_type3A_60, %cond3A_61 : i32
      scf.if %cond3A_62 {
        %sub3A_85 = arith.constant 2 : i32
        %sub3A_86 = arith.subi %scan3A_28, %sub3A_85 : i32
        %mul3A_87 = arith.constant 128 : i32
        %mul3A_88 = arith.muli %sub3A_86, %mul3A_87 : i32
        %dma_wait3A_89 = arith.constant 0 : i32
        %dma_wait3A_90 = arith.constant 0 : i32
        %dma_wait3A_91 = arith.constant 0 : i32
        %dma_wait3A_92 = tpu.memref_slice %arg9[%dma_wait3A_90, %dma_wait3A_91] : memref<384x128xf32, #tpu.memory_space<vmem>> -> memref<128x128xf32, #tpu.memory_space<vmem>>
        %dma_wait3A_93 = tpu.memref_slice %arg7[%mul3A_88] : memref<512xi32, #tpu.memory_space<vmem>> -> memref<128xi32, #tpu.memory_space<vmem>>
        %dma_wait3A_94 = arith.constant 0 : i32
        %dma_wait3A_95 = arith.constant 0 : i32
        %dma_wait3A_96 = tpu.memref_slice %arg4[%dma_wait3A_94, %dma_wait3A_95] : memref<1000000x128xf32, #tpu.memory_space<hbm>> -> memref<1000000x128xf32, #tpu.memory_space<hbm>>
        %dma_wait3A_97 = tpu.memref_slice %arg14[%dma_wait3A_89] : memref<3x!tpu.dma_semaphore, #tpu.memory_space<semaphore_mem>> -> memref<1x!tpu.dma_semaphore, #tpu.memory_space<semaphore_mem>>
        %dma_wait3A_98 = tpu.memref_squeeze %dma_wait3A_97 : memref<1x!tpu.dma_semaphore, #tpu.memory_space<semaphore_mem>> -> memref<!tpu.dma_semaphore, #tpu.memory_space<semaphore_mem>>
        tpu.wait_indirect_dma semaphore(%dma_wait3A_98 : memref<!tpu.dma_semaphore, #tpu.memory_space<semaphore_mem>>) src(%dma_wait3A_96 : memref<1000000x128xf32, #tpu.memory_space<hbm>>) dst(%dma_wait3A_92 : memref<128x128xf32, #tpu.memory_space<vmem>>)
        %mul3A_99 = arith.constant 128 : i32
        %mul3A_100 = arith.muli %sub3A_86, %mul3A_99 : i32
        %dma_wait3A_101 = arith.constant 0 : i32
        %dma_wait3A_102 = arith.constant 0 : i32
        %dma_wait3A_103 = arith.constant 0 : i32
        %dma_wait3A_104 = tpu.memref_slice %arg10[%dma_wait3A_102, %dma_wait3A_103] : memref<384x128xf32, #tpu.memory_space<vmem>> -> memref<128x128xf32, #tpu.memory_space<vmem>>
        %dma_wait3A_105 = tpu.memref_slice %arg8[%mul3A_100] : memref<512xi32, #tpu.memory_space<vmem>> -> memref<128xi32, #tpu.memory_space<vmem>>
        %dma_wait3A_106 = arith.constant 0 : i32
        %dma_wait3A_107 = arith.constant 0 : i32
        %dma_wait3A_108 = tpu.memref_slice %arg5[%dma_wait3A_106, %dma_wait3A_107] : memref<100000x128xf32, #tpu.memory_space<hbm>> -> memref<100000x128xf32, #tpu.memory_space<hbm>>
        %dma_wait3A_109 = tpu.memref_slice %arg15[%dma_wait3A_101] : memref<3x!tpu.dma_semaphore, #tpu.memory_space<semaphore_mem>> -> memref<1x!tpu.dma_semaphore, #tpu.memory_space<semaphore_mem>>
        %dma_wait3A_110 = tpu.memref_squeeze %dma_wait3A_109 : memref<1x!tpu.dma_semaphore, #tpu.memory_space<semaphore_mem>> -> memref<!tpu.dma_semaphore, #tpu.memory_space<semaphore_mem>>
        tpu.wait_indirect_dma semaphore(%dma_wait3A_110 : memref<!tpu.dma_semaphore, #tpu.memory_space<semaphore_mem>>) src(%dma_wait3A_108 : memref<100000x128xf32, #tpu.memory_space<hbm>>) dst(%dma_wait3A_104 : memref<128x128xf32, #tpu.memory_space<vmem>>)
      } else {
      }
      %ge3A_63 = arith.constant 2 : i32
      %ge3A_64 = arith.cmpi sge, %scan3A_28, %ge3A_63 : i32
      %eq3A_65 = arith.constant 1 : i32
      %eq3A_66 = arith.cmpi eq, %rem3A_35, %eq3A_65 : i32
      %and3A_67 = arith.andi %ge3A_64, %eq3A_66 : i1
      %convert_element_type3A_68 = arith.extui %and3A_67 : i1 to i32
      %cond3A_69 = arith.constant 0 : i32
      %cond3A_70 = arith.cmpi ne, %convert_element_type3A_68, %cond3A_69 : i32
      scf.if %cond3A_70 {
        %sub3A_85 = arith.constant 2 : i32
        %sub3A_86 = arith.subi %scan3A_28, %sub3A_85 : i32
        %mul3A_87 = arith.constant 128 : i32
        %mul3A_88 = arith.muli %sub3A_86, %mul3A_87 : i32
        %dma_wait3A_89 = arith.constant 1 : i32
        %dma_wait3A_90 = arith.constant 128 : i32
        %dma_wait3A_91 = arith.constant 0 : i32
        %dma_wait3A_92 = tpu.memref_slice %arg9[%dma_wait3A_90, %dma_wait3A_91] : memref<384x128xf32, #tpu.memory_space<vmem>> -> memref<128x128xf32, #tpu.memory_space<vmem>>
        %dma_wait3A_93 = tpu.memref_slice %arg7[%mul3A_88] : memref<512xi32, #tpu.memory_space<vmem>> -> memref<128xi32, #tpu.memory_space<vmem>>
        %dma_wait3A_94 = arith.constant 0 : i32
        %dma_wait3A_95 = arith.constant 0 : i32
        %dma_wait3A_96 = tpu.memref_slice %arg4[%dma_wait3A_94, %dma_wait3A_95] : memref<1000000x128xf32, #tpu.memory_space<hbm>> -> memref<1000000x128xf32, #tpu.memory_space<hbm>>
        %dma_wait3A_97 = tpu.memref_slice %arg14[%dma_wait3A_89] : memref<3x!tpu.dma_semaphore, #tpu.memory_space<semaphore_mem>> -> memref<1x!tpu.dma_semaphore, #tpu.memory_space<semaphore_mem>>
        %dma_wait3A_98 = tpu.memref_squeeze %dma_wait3A_97 : memref<1x!tpu.dma_semaphore, #tpu.memory_space<semaphore_mem>> -> memref<!tpu.dma_semaphore, #tpu.memory_space<semaphore_mem>>
        tpu.wait_indirect_dma semaphore(%dma_wait3A_98 : memref<!tpu.dma_semaphore, #tpu.memory_space<semaphore_mem>>) src(%dma_wait3A_96 : memref<1000000x128xf32, #tpu.memory_space<hbm>>) dst(%dma_wait3A_92 : memref<128x128xf32, #tpu.memory_space<vmem>>)
        %mul3A_99 = arith.constant 128 : i32
        %mul3A_100 = arith.muli %sub3A_86, %mul3A_99 : i32
        %dma_wait3A_101 = arith.constant 1 : i32
        %dma_wait3A_102 = arith.constant 128 : i32
        %dma_wait3A_103 = arith.constant 0 : i32
        %dma_wait3A_104 = tpu.memref_slice %arg10[%dma_wait3A_102, %dma_wait3A_103] : memref<384x128xf32, #tpu.memory_space<vmem>> -> memref<128x128xf32, #tpu.memory_space<vmem>>
        %dma_wait3A_105 = tpu.memref_slice %arg8[%mul3A_100] : memref<512xi32, #tpu.memory_space<vmem>> -> memref<128xi32, #tpu.memory_space<vmem>>
        %dma_wait3A_106 = arith.constant 0 : i32
        %dma_wait3A_107 = arith.constant 0 : i32
        %dma_wait3A_108 = tpu.memref_slice %arg5[%dma_wait3A_106, %dma_wait3A_107] : memref<100000x128xf32, #tpu.memory_space<hbm>> -> memref<100000x128xf32, #tpu.memory_space<hbm>>
        %dma_wait3A_109 = tpu.memref_slice %arg15[%dma_wait3A_101] : memref<3x!tpu.dma_semaphore, #tpu.memory_space<semaphore_mem>> -> memref<1x!tpu.dma_semaphore, #tpu.memory_space<semaphore_mem>>
        %dma_wait3A_110 = tpu.memref_squeeze %dma_wait3A_109 : memref<1x!tpu.dma_semaphore, #tpu.memory_space<semaphore_mem>> -> memref<!tpu.dma_semaphore, #tpu.memory_space<semaphore_mem>>
        tpu.wait_indirect_dma semaphore(%dma_wait3A_110 : memref<!tpu.dma_semaphore, #tpu.memory_space<semaphore_mem>>) src(%dma_wait3A_108 : memref<100000x128xf32, #tpu.memory_space<hbm>>) dst(%dma_wait3A_104 : memref<128x128xf32, #tpu.memory_space<vmem>>)
      } else {
      }
      %ge3A_71 = arith.constant 2 : i32
      %ge3A_72 = arith.cmpi sge, %scan3A_28, %ge3A_71 : i32
      %eq3A_73 = arith.constant 2 : i32
      %eq3A_74 = arith.cmpi eq, %rem3A_35, %eq3A_73 : i32
      %and3A_75 = arith.andi %ge3A_72, %eq3A_74 : i1
      %convert_element_type3A_76 = arith.extui %and3A_75 : i1 to i32
      %cond3A_77 = arith.constant 0 : i32
      %cond3A_78 = arith.cmpi ne, %convert_element_type3A_76, %cond3A_77 : i32
      scf.if %cond3A_78 {
        %sub3A_85 = arith.constant 2 : i32
        %sub3A_86 = arith.subi %scan3A_28, %sub3A_85 : i32
        %mul3A_87 = arith.constant 128 : i32
        %mul3A_88 = arith.muli %sub3A_86, %mul3A_87 : i32
        %dma_wait3A_89 = arith.constant 2 : i32
        %dma_wait3A_90 = arith.constant 256 : i32
        %dma_wait3A_91 = arith.constant 0 : i32
        %dma_wait3A_92 = tpu.memref_slice %arg9[%dma_wait3A_90, %dma_wait3A_91] : memref<384x128xf32, #tpu.memory_space<vmem>> -> memref<128x128xf32, #tpu.memory_space<vmem>>
        %dma_wait3A_93 = tpu.memref_slice %arg7[%mul3A_88] : memref<512xi32, #tpu.memory_space<vmem>> -> memref<128xi32, #tpu.memory_space<vmem>>
        %dma_wait3A_94 = arith.constant 0 : i32
        %dma_wait3A_95 = arith.constant 0 : i32
        %dma_wait3A_96 = tpu.memref_slice %arg4[%dma_wait3A_94, %dma_wait3A_95] : memref<1000000x128xf32, #tpu.memory_space<hbm>> -> memref<1000000x128xf32, #tpu.memory_space<hbm>>
        %dma_wait3A_97 = tpu.memref_slice %arg14[%dma_wait3A_89] : memref<3x!tpu.dma_semaphore, #tpu.memory_space<semaphore_mem>> -> memref<1x!tpu.dma_semaphore, #tpu.memory_space<semaphore_mem>>
        %dma_wait3A_98 = tpu.memref_squeeze %dma_wait3A_97 : memref<1x!tpu.dma_semaphore, #tpu.memory_space<semaphore_mem>> -> memref<!tpu.dma_semaphore, #tpu.memory_space<semaphore_mem>>
        tpu.wait_indirect_dma semaphore(%dma_wait3A_98 : memref<!tpu.dma_semaphore, #tpu.memory_space<semaphore_mem>>) src(%dma_wait3A_96 : memref<1000000x128xf32, #tpu.memory_space<hbm>>) dst(%dma_wait3A_92 : memref<128x128xf32, #tpu.memory_space<vmem>>)
        %mul3A_99 = arith.constant 128 : i32
        %mul3A_100 = arith.muli %sub3A_86, %mul3A_99 : i32
        %dma_wait3A_101 = arith.constant 2 : i32
        %dma_wait3A_102 = arith.constant 256 : i32
        %dma_wait3A_103 = arith.constant 0 : i32
        %dma_wait3A_104 = tpu.memref_slice %arg10[%dma_wait3A_102, %dma_wait3A_103] : memref<384x128xf32, #tpu.memory_space<vmem>> -> memref<128x128xf32, #tpu.memory_space<vmem>>
        %dma_wait3A_105 = tpu.memref_slice %arg8[%mul3A_100] : memref<512xi32, #tpu.memory_space<vmem>> -> memref<128xi32, #tpu.memory_space<vmem>>
        %dma_wait3A_106 = arith.constant 0 : i32
        %dma_wait3A_107 = arith.constant 0 : i32
        %dma_wait3A_108 = tpu.memref_slice %arg5[%dma_wait3A_106, %dma_wait3A_107] : memref<100000x128xf32, #tpu.memory_space<hbm>> -> memref<100000x128xf32, #tpu.memory_space<hbm>>
        %dma_wait3A_109 = tpu.memref_slice %arg15[%dma_wait3A_101] : memref<3x!tpu.dma_semaphore, #tpu.memory_space<semaphore_mem>> -> memref<1x!tpu.dma_semaphore, #tpu.memory_space<semaphore_mem>>
        %dma_wait3A_110 = tpu.memref_squeeze %dma_wait3A_109 : memref<1x!tpu.dma_semaphore, #tpu.memory_space<semaphore_mem>> -> memref<!tpu.dma_semaphore, #tpu.memory_space<semaphore_mem>>
        tpu.wait_indirect_dma semaphore(%dma_wait3A_110 : memref<!tpu.dma_semaphore, #tpu.memory_space<semaphore_mem>>) src(%dma_wait3A_108 : memref<100000x128xf32, #tpu.memory_space<hbm>>) dst(%dma_wait3A_104 : memref<128x128xf32, #tpu.memory_space<vmem>>)
      } else {
      }
      %ge3A_79 = arith.constant 2 : i32
      %ge3A_80 = arith.cmpi sge, %scan3A_28, %ge3A_79 : i32
      %convert_element_type3A_81 = arith.extui %ge3A_80 : i1 to i32
      %cond3A_82 = arith.constant 0 : i32
      %cond3A_83 = arith.cmpi ne, %convert_element_type3A_81, %cond3A_82 : i32
      scf.if %cond3A_83 {
        %sub3A_85 = arith.constant 2 : i32
        %sub3A_86 = arith.subi %scan3A_28, %sub3A_85 : i32
        %rem3A_87 = arith.constant 3 : i32
        %rem3A_88 = arith.remsi %sub3A_86, %rem3A_87 : i32
        %mul3A_89 = arith.constant 128 : i32
        %mul3A_90 = arith.muli %rem3A_88, %mul3A_89 : i32
        %parallel_loop3A = arith.constant 0 : i32
        %parallel_loop3A_91 = arith.constant 128 : i32
        %parallel_loop3A_92 = arith.constant 1 : i32
        scf.for %parallel_loop3A_93 = %parallel_loop3A to %parallel_loop3A_91 step %parallel_loop3A_92  : i32 {
          %parallel_loop3A_94 = arith.addi %mul3A_90, %parallel_loop3A_93 : i32
          %parallel_loop3A_95 = arith.index_cast %parallel_loop3A_94 : i32 to index
          %parallel_loop3A_96 = arith.constant 0 : index
          %parallel_loop3A_97 = tpu.vector_load %arg9[%parallel_loop3A_95, %parallel_loop3A_96] {strides = array<i32>} : memref<384x128xf32, #tpu.memory_space<vmem>>, vector<16xf32>,
          %parallel_loop3A_98 = arith.index_cast %parallel_loop3A_94 : i32 to index
          %parallel_loop3A_99 = arith.constant 0 : index
          %parallel_loop3A_100 = tpu.vector_load %arg10[%parallel_loop3A_98, %parallel_loop3A_99] {strides = array<i32>} : memref<384x128xf32, #tpu.memory_space<vmem>>, vector<16xf32>,
          %parallel_loop3A_101 = arith.mulf %parallel_loop3A_97, %parallel_loop3A_100 : vector<16xf32>
          %parallel_loop3A_102 = arith.index_cast %parallel_loop3A_94 : i32 to index
          %parallel_loop3A_103 = arith.constant 16 : index
          %parallel_loop3A_104 = tpu.vector_load %arg9[%parallel_loop3A_102, %parallel_loop3A_103] {strides = array<i32>} : memref<384x128xf32, #tpu.memory_space<vmem>>, vector<16xf32>,
          %parallel_loop3A_105 = arith.index_cast %parallel_loop3A_94 : i32 to index
          %parallel_loop3A_106 = arith.constant 16 : index
          %parallel_loop3A_107 = tpu.vector_load %arg10[%parallel_loop3A_105, %parallel_loop3A_106] {strides = array<i32>} : memref<384x128xf32, #tpu.memory_space<vmem>>, vector<16xf32>,
          %parallel_loop3A_108 = arith.mulf %parallel_loop3A_104, %parallel_loop3A_107 : vector<16xf32>
          %parallel_loop3A_109 = arith.index_cast %parallel_loop3A_94 : i32 to index
          %parallel_loop3A_110 = arith.constant 32 : index
          %parallel_loop3A_111 = tpu.vector_load %arg9[%parallel_loop3A_109, %parallel_loop3A_110] {strides = array<i32>} : memref<384x128xf32, #tpu.memory_space<vmem>>, vector<16xf32>,
          %parallel_loop3A_112 = arith.index_cast %parallel_loop3A_94 : i32 to index
          %parallel_loop3A_113 = arith.constant 32 : index
          %parallel_loop3A_114 = tpu.vector_load %arg10[%parallel_loop3A_112, %parallel_loop3A_113] {strides = array<i32>} : memref<384x128xf32, #tpu.memory_space<vmem>>, vector<16xf32>,
          %parallel_loop3A_115 = arith.mulf %parallel_loop3A_111, %parallel_loop3A_114 : vector<16xf32>
          %parallel_loop3A_116 = arith.index_cast %parallel_loop3A_94 : i32 to index
          %parallel_loop3A_117 = arith.constant 48 : index
          %parallel_loop3A_118 = tpu.vector_load %arg9[%parallel_loop3A_116, %parallel_loop3A_117] {strides = array<i32>} : memref<384x128xf32, #tpu.memory_space<vmem>>, vector<16xf32>,
          %parallel_loop3A_119 = arith.index_cast %parallel_loop3A_94 : i32 to index
          %parallel_loop3A_120 = arith.constant 48 : index
          %parallel_loop3A_121 = tpu.vector_load %arg10[%parallel_loop3A_119, %parallel_loop3A_120] {strides = array<i32>} : memref<384x128xf32, #tpu.memory_space<vmem>>, vector<16xf32>,
          %parallel_loop3A_122 = arith.mulf %parallel_loop3A_118, %parallel_loop3A_121 : vector<16xf32>
          %parallel_loop3A_123 = arith.index_cast %parallel_loop3A_94 : i32 to index
          %parallel_loop3A_124 = arith.constant 64 : index
          %parallel_loop3A_125 = tpu.vector_load %arg9[%parallel_loop3A_123, %parallel_loop3A_124] {strides = array<i32>} : memref<384x128xf32, #tpu.memory_space<vmem>>, vector<16xf32>,
          %parallel_loop3A_126 = arith.index_cast %parallel_loop3A_94 : i32 to index
          %parallel_loop3A_127 = arith.constant 64 : index
          %parallel_loop3A_128 = tpu.vector_load %arg10[%parallel_loop3A_126, %parallel_loop3A_127] {strides = array<i32>} : memref<384x128xf32, #tpu.memory_space<vmem>>, vector<16xf32>,
          %parallel_loop3A_129 = arith.mulf %parallel_loop3A_125, %parallel_loop3A_128 : vector<16xf32>
          %parallel_loop3A_130 = arith.index_cast %parallel_loop3A_94 : i32 to index
          %parallel_loop3A_131 = arith.constant 80 : index
          %parallel_loop3A_132 = tpu.vector_load %arg9[%parallel_loop3A_130, %parallel_loop3A_131] {strides = array<i32>} : memref<384x128xf32, #tpu.memory_space<vmem>>, vector<16xf32>,
          %parallel_loop3A_133 = arith.index_cast %parallel_loop3A_94 : i32 to index
          %parallel_loop3A_134 = arith.constant 80 : index
          %parallel_loop3A_135 = tpu.vector_load %arg10[%parallel_loop3A_133, %parallel_loop3A_134] {strides = array<i32>} : memref<384x128xf32, #tpu.memory_space<vmem>>, vector<16xf32>,
          %parallel_loop3A_136 = arith.mulf %parallel_loop3A_132, %parallel_loop3A_135 : vector<16xf32>
          %parallel_loop3A_137 = arith.index_cast %parallel_loop3A_94 : i32 to index
          %parallel_loop3A_138 = arith.constant 96 : index
          %parallel_loop3A_139 = tpu.vector_load %arg9[%parallel_loop3A_137, %parallel_loop3A_138] {strides = array<i32>} : memref<384x128xf32, #tpu.memory_space<vmem>>, vector<16xf32>,
          %parallel_loop3A_140 = arith.index_cast %parallel_loop3A_94 : i32 to index
          %parallel_loop3A_141 = arith.constant 96 : index
          %parallel_loop3A_142 = tpu.vector_load %arg10[%parallel_loop3A_140, %parallel_loop3A_141] {strides = array<i32>} : memref<384x128xf32, #tpu.memory_space<vmem>>, vector<16xf32>,
          %parallel_loop3A_143 = arith.mulf %parallel_loop3A_139, %parallel_loop3A_142 : vector<16xf32>
          %parallel_loop3A_144 = arith.index_cast %parallel_loop3A_94 : i32 to index
          %parallel_loop3A_145 = arith.constant 112 : index
          %parallel_loop3A_146 = tpu.vector_load %arg9[%parallel_loop3A_144, %parallel_loop3A_145] {strides = array<i32>} : memref<384x128xf32, #tpu.memory_space<vmem>>, vector<16xf32>,
          %parallel_loop3A_147 = arith.index_cast %parallel_loop3A_94 : i32 to index
          %parallel_loop3A_148 = arith.constant 112 : index
          %parallel_loop3A_149 = tpu.vector_load %arg10[%parallel_loop3A_147, %parallel_loop3A_148] {strides = array<i32>} : memref<384x128xf32, #tpu.memory_space<vmem>>, vector<16xf32>,
          %parallel_loop3A_150 = arith.mulf %parallel_loop3A_146, %parallel_loop3A_149 : vector<16xf32>
          %parallel_loop3A_151 = arith.addf %parallel_loop3A_101, %parallel_loop3A_108 : vector<16xf32>
          %parallel_loop3A_152 = arith.addf %parallel_loop3A_115, %parallel_loop3A_122 : vector<16xf32>
          %parallel_loop3A_153 = arith.addf %parallel_loop3A_129, %parallel_loop3A_136 : vector<16xf32>
          %parallel_loop3A_154 = arith.addf %parallel_loop3A_143, %parallel_loop3A_150 : vector<16xf32>
          %parallel_loop3A_155 = arith.addf %parallel_loop3A_151, %parallel_loop3A_152 : vector<16xf32>
          %parallel_loop3A_156 = arith.addf %parallel_loop3A_153, %parallel_loop3A_154 : vector<16xf32>
          %parallel_loop3A_157 = arith.addf %parallel_loop3A_155, %parallel_loop3A_156 : vector<16xf32>
          %parallel_loop3A_158 = arith.constant 0 : i32
          %parallel_loop3A_159 = vector.broadcast %parallel_loop3A_158 : i32 to vector<16xi32>
          %parallel_loop3A_160 = arith.cmpi slt, %xor3A_7, %parallel_loop3A_159 : vector<16xi32>
          %parallel_loop3A_161 = arith.constant 16 : i32
          %parallel_loop3A_162 = vector.broadcast %parallel_loop3A_161 : i32 to vector<16xi32>
          %parallel_loop3A_163 = arith.addi %xor3A_7, %parallel_loop3A_162 : vector<16xi32>
          %parallel_loop3A_164 = arith.select %parallel_loop3A_160, %parallel_loop3A_163, %xor3A_7 : vector<16xi1>, vector<16xi32>
          %parallel_loop3A_165 = vector.shape_cast %parallel_loop3A_164 : vector<16xi32> to vector<16x1xi32>
          %parallel_loop3A_166 = vector.shape_cast %parallel_loop3A_165 : vector<16x1xi32> to vector<16xi32>
          %parallel_loop3A_167 = tpu.dynamic_gather %parallel_loop3A_157[%parallel_loop3A_166] in [0] : vector<16xf32>, vector<16xi32> -> vector<16xf32>
          %parallel_loop3A_168 = arith.addf %parallel_loop3A_157, %parallel_loop3A_167 : vector<16xf32>
          %parallel_loop3A_169 = arith.constant 0 : i32
          %parallel_loop3A_170 = vector.broadcast %parallel_loop3A_169 : i32 to vector<16xi32>
          %parallel_loop3A_171 = arith.cmpi slt, %xor3A_10, %parallel_loop3A_170 : vector<16xi32>
          %parallel_loop3A_172 = arith.constant 16 : i32
          %parallel_loop3A_173 = vector.broadcast %parallel_loop3A_172 : i32 to vector<16xi32>
          %parallel_loop3A_174 = arith.addi %xor3A_10, %parallel_loop3A_173 : vector<16xi32>
          %parallel_loop3A_175 = arith.select %parallel_loop3A_171, %parallel_loop3A_174, %xor3A_10 : vector<16xi1>, vector<16xi32>
          %parallel_loop3A_176 = vector.shape_cast %parallel_loop3A_175 : vector<16xi32> to vector<16x1xi32>
          %parallel_loop3A_177 = vector.shape_cast %parallel_loop3A_176 : vector<16x1xi32> to vector<16xi32>
          %parallel_loop3A_178 = tpu.dynamic_gather %parallel_loop3A_168[%parallel_loop3A_177] in [0] : vector<16xf32>, vector<16xi32> -> vector<16xf32>
          %parallel_loop3A_179 = arith.addf %parallel_loop3A_168, %parallel_loop3A_178 : vector<16xf32>
          %parallel_loop3A_180 = arith.constant 0 : i32
          %parallel_loop3A_181 = vector.broadcast %parallel_loop3A_180 : i32 to vector<16xi32>
          %parallel_loop3A_182 = arith.cmpi slt, %xor3A_13, %parallel_loop3A_181 : vector<16xi32>
          %parallel_loop3A_183 = arith.constant 16 : i32
          %parallel_loop3A_184 = vector.broadcast %parallel_loop3A_183 : i32 to vector<16xi32>
          %parallel_loop3A_185 = arith.addi %xor3A_13, %parallel_loop3A_184 : vector<16xi32>
          %parallel_loop3A_186 = arith.select %parallel_loop3A_182, %parallel_loop3A_185, %xor3A_13 : vector<16xi1>, vector<16xi32>
          %parallel_loop3A_187 = vector.shape_cast %parallel_loop3A_186 : vector<16xi32> to vector<16x1xi32>
          %parallel_loop3A_188 = vector.shape_cast %parallel_loop3A_187 : vector<16x1xi32> to vector<16xi32>
          %parallel_loop3A_189 = tpu.dynamic_gather %parallel_loop3A_179[%parallel_loop3A_188] in [0] : vector<16xf32>, vector<16xi32> -> vector<16xf32>
          %parallel_loop3A_190 = arith.addf %parallel_loop3A_179, %parallel_loop3A_189 : vector<16xf32>
          %parallel_loop3A_191 = arith.constant 0 : i32
          %parallel_loop3A_192 = vector.broadcast %parallel_loop3A_191 : i32 to vector<16xi32>
          %parallel_loop3A_193 = arith.cmpi slt, %xor3A_16, %parallel_loop3A_192 : vector<16xi32>
          %parallel_loop3A_194 = arith.constant 16 : i32
          %parallel_loop3A_195 = vector.broadcast %parallel_loop3A_194 : i32 to vector<16xi32>
          %parallel_loop3A_196 = arith.addi %xor3A_16, %parallel_loop3A_195 : vector<16xi32>
          %parallel_loop3A_197 = arith.select %parallel_loop3A_193, %parallel_loop3A_196, %xor3A_16 : vector<16xi1>, vector<16xi32>
          %parallel_loop3A_198 = vector.shape_cast %parallel_loop3A_197 : vector<16xi32> to vector<16x1xi32>
          %parallel_loop3A_199 = vector.shape_cast %parallel_loop3A_198 : vector<16x1xi32> to vector<16xi32>
          %parallel_loop3A_200 = tpu.dynamic_gather %parallel_loop3A_190[%parallel_loop3A_199] in [0] : vector<16xf32>, vector<16xi32> -> vector<16xf32>
          %parallel_loop3A_201 = arith.addf %parallel_loop3A_190, %parallel_loop3A_200 : vector<16xf32>
          %parallel_loop3A_202 = arith.constant 128 : i32
          %parallel_loop3A_203 = arith.muli %sub3A_86, %parallel_loop3A_202 : i32
          %parallel_loop3A_204 = arith.addi %parallel_loop3A_203, %parallel_loop3A_93 : i32
          %parallel_loop3A_205 = vector.broadcast %parallel_loop3A_204 : i32 to vector<16xi32>
          tpu.vector_store_idx %arg11[%parallel_loop3A_205], %parallel_loop3A_201 masked %eq3A_18 : memref<512xf32, #tpu.memory_space<vmem>>[vector<16xi32>], vector<16xf32>, vector<16xi1>
        } {sc.loop_unroll_factor = 2 : i64, sc.parallel_access}
      } else {
      }
      %scan3A_84 = arith.constant 0 : i32
      scf.yield %scan3A_84 : i32
    }
    %scan3A_27 = arith.constant 6 : i32
    "tpu.region"() ({
      %run_scoped3A = tpu.sem_alloc : memref<!tpu.dma_semaphore, #tpu.memory_space<semaphore_mem>>
      %dma_start3A_28 = tpu.memref_slice %arg6[%mul3A_2] : memref<16384xf32, #tpu.memory_space<hbm>> -> memref<512xf32, #tpu.memory_space<hbm>>
      %dma_start3A_29 = tpu.memref_slice %arg6[%mul3A_2] : memref<16384xf32, #tpu.memory_space<hbm>> -> memref<512xf32, #tpu.memory_space<hbm>>
      tpu.enqueue_dma source(%arg11 : memref<512xf32, #tpu.memory_space<vmem>>) target(%dma_start3A_29 : memref<512xf32, #tpu.memory_space<hbm>>) target_semaphore(%run_scoped3A : memref<!tpu.dma_semaphore, #tpu.memory_space<semaphore_mem>>)
      %dma_wait3A_30 = tpu.memref_slice %arg6[%mul3A_2] : memref<16384xf32, #tpu.memory_space<hbm>> -> memref<512xf32, #tpu.memory_space<hbm>>
      %dma_wait3A_31 = tpu.memref_slice %arg6[%mul3A_2] : memref<16384xf32, #tpu.memory_space<hbm>> -> memref<512xf32, #tpu.memory_space<hbm>>
      tpu.wait_dma2 semaphore(%run_scoped3A : memref<!tpu.dma_semaphore, #tpu.memory_space<semaphore_mem>>) src(%arg11 : memref<512xf32, #tpu.memory_space<vmem>>) dst(%dma_wait3A_31 : memref<512xf32, #tpu.memory_space<hbm>>)
      tpu.yield
    }) : () -> ()
    return
  }
}

</mosaic_0001>

<sc_bundles>
// kernel: _mf_scores.3.cloned.1.call-start
scs
__scs_entry_jumppad:
0x0: {  	(pc) =	sbr.rel $0x88, $3  }
0x1: {  	(tag) =	ssettag $0x0;
	lr =	simm.s32 $0x1  }
0x2: {  	[smem:$0x3F9D] =	sst lr;
	_ =	strace $0xD0000000  }
0x3: {  	_ = 	snop  }
0x4: {  	_ = 	snop  }
0x5: {  	_ = 	snop  }
0x6: {  	_ = 	snop  }
0x7: {  	_ = 	snop  }
__scs_overlays_trampoline_lowered:
0x8: {  	[smem:$0x3FAC] =	sst s0  }
0x9: {  	[smem:$0x3FAD] =	sst s1  }
0xa: {  	[smem:$0x3FAE] =	sst s2  }
0xb: {  	[smem:$0x3FAF] =	sst s3  }
0xc: {  	[smem:$0x3FB0] =	sst s4  }
0xd: {  	[smem:$0x3FB1] =	sst s5  }
0xe: {  	[smem:$0x3FB2] =	sst s6  }
0xf: {  	[smem:$0x3FB3] =	sst s7  }
0x10: {  	[smem:$0x3FB4] =	sst s8  }
0x11: {  	[smem:$0x3FB5] =	sst s9;
	s0 =	simm.s32 @!p0 $0x0  }
0x12: {  	s1 =	sld [smem:$0x3F9B];
	s0 =	simm.s32 @p0 $0x1  }
0x13: {  	[smem:$0x3FB6] =	sst s0;
	s0 =	simm.s32 @!p1 $0x0  }
0x14: {  	s2 =	sld [smem:$0x3F9A];
	s0 =	simm.s32 @p1 $0x1  }
0x15: {  	[smem:$0x3FB7] =	sst s0;
	s0 =	simm.s32 @!p2 $0x0  }
0x16: {  	s3 =	sld [smem:$0x3FDB];
	s0 =	simm.s32 @p2 $0x1  }
0x17: {  	s4 =	simm.s32 $0x1BF5;
	[smem:$0x3FB9] =	sst s0  }
0x18: {  	s0 =	sld [smem:$0x3F9C];
	_ =	swait.ge [sflag:s4], $0x0  }
0x19: {  	s7 =	sld [smem:$0x3F9D]  }
0x1a: {  	s8 =	sadd.s32 $0xFFFFE003, lr  }
0x1b: {  	s9 =	sadd.s32 $0xFFFFFEF7, lr;
	s5 =	simm.s32 $0xFFFFFFFF;
	p2 =	slt.u32 s8, $0xFFFFF086  }
0x1c: {  	p1 =	slt.u32 s9, $0xF7A;
	s5 =	simm.s32 @!p2 $0x0  }
0x1d: {  	s5 =	simm.s32 @p1 $0x1;
	p0 =	seq.s32 s7, s2  }
0x1e: {  	s7 =	smul.u32 @!p0 $0xF7A, s2;
	p2 =	seq.s32 @!p0 s5, $0x0  }
0x1f: {  	s9 =	smul.u32 $0xF7A, s1;
	s8 =	simm.s32 @!p0 $0x1BF5;
	p2 =	por !p2, p0  }
0x20: {  	[sflag:s8] =	ssyncset.s32 @!p0 $0xFFFFF086;
	s6 =	sadd.s32 @!p0 s3, s7;
	s7 =	simm.s32 @!p0 $0x108  }
0x21: {  	s3 =	sadd.s32 s3, s9;
	s6 =	sadd.s32 @!p0 $0x88, s6;
	s7 =	simm.s32 @p2 $0x1082  }
0x22: {  	[simem:s7], [sflag:s8] =	dma.local @!p0 [hbm:s6], $0xF7A  }
0x23: {  	s9 =	sor.u32 $0xD0000000, s2;
	s6 =	simm.s32 $0x108;
	_ =	swait.ge @!p0 [sflag:s8], $0x0  }
0x24: {  	s3 =	sadd.s32 $0x88, s3;
	s6 =	simm.s32 @!p1 $0x1082;
	[sflag:s4] =	ssyncset.s32 $0xFFFFF086  }
0x25: {  	[simem:s6], [sflag:s4] =	dma.local [hbm:s3], $0xF7A  }
0x26: {  	[smem:$0x3F9D] =	sst s1;
	(tag) =	ssettag s2;
	_ =	strace s9  }
0x27: {  	s1 =	sld [smem:$0x3FAD]  }
0x28: {  	s2 =	sld [smem:$0x3FAE]  }
0x29: {  	s4 =	sld [smem:$0x3FB0]  }
0x2a: {  	p0 =	seq.s32 s5, $0x0;
	s5 =	sld [smem:$0x3FB1]  }
0x2b: {  	s6 =	sld [smem:$0x3FB2]  }
0x2c: {  	s7 =	sld [smem:$0x3FB3]  }
0x2d: {  	s3 =	simm.s32 $0x108;
	s8 =	sld [smem:$0x3FB4]  }
0x2e: {  	s3 =	simm.s32 @!p0 $0x1082;
	s9 =	sld [smem:$0x3FB5]  }
0x2f: {  	lr =	sadd.s32 s0, s3;
	s0 =	sld [smem:$0x3FAC]  }
0x30: {  	s3 =	sld [smem:$0x3FAF]  }
0x31: {  	[smem:$0x3FB8] =	sst s10  }
0x32: {  	s10 =	sld [smem:$0x3FB6];
	_ =	sdelay $0x3  }
0x33: {  	p0 =	seq.s32 s10, $0x1;
	s10 =	sld [smem:$0x3FB8];
	_ =	sdelay $0x3  }
0x34: {  	[smem:$0x3FB8] =	sst s10  }
0x35: {  	s10 =	sld [smem:$0x3FB7];
	_ =	sdelay $0x3  }
0x36: {  	p1 =	seq.s32 s10, $0x1;
	s10 =	sld [smem:$0x3FB8];
	_ =	sdelay $0x3  }
0x37: {  	[smem:$0x3FB8] =	sst s10  }
0x38: {  	s10 =	sld [smem:$0x3FB9]  }
0x39: {  	_ = 	snop;
	(pc) =	sbr.ind lr, $3  }
0x3a: {  	_ = 	snop  }
0x3b: {  	_ = 	snop  }
0x3c: {  	p2 =	seq.s32 s10, $0x1;
	s10 =	sld [smem:$0x3FB8]  }
0x3d: {  	_ =	shalt  }
0x3e: {  	_ =	shalt  }
0x3f: {  	_ =	shalt  }
0x40: {  	_ =	shalt  }
0x41: {  	_ =	shalt  }
0x42: {  	_ =	shalt  }
0x43: {  	_ =	shalt  }
0x44: {  	_ =	shalt  }
0x45: {  	_ =	shalt  }
0x46: {  	_ =	shalt  }
0x47: {  	_ =	shalt  }
0x48: {  	_ =	shalt  }
0x49: {  	_ =	shalt  }
0x4a: {  	_ =	shalt  }
0x4b: {  	_ =	shalt  }
0x4c: {  	_ =	shalt  }
0x4d: {  	_ =	shalt  }
0x4e: {  	_ =	shalt  }
0x4f: {  	_ =	shalt  }
0x50: {  	_ =	shalt  }
0x51: {  	_ =	shalt  }
0x52: {  	_ =	shalt  }
0x53: {  	_ =	shalt  }
0x54: {  	_ =	shalt  }
0x55: {  	_ =	shalt  }
0x56: {  	_ =	shalt  }
0x57: {  	_ =	shalt  }
0x58: {  	_ =	shalt  }
0x59: {  	_ =	shalt  }
0x5a: {  	_ =	shalt  }
0x5b: {  	_ =	shalt  }
0x5c: {  	_ =	shalt  }
0x5d: {  	_ =	shalt  }
0x5e: {  	_ =	shalt  }
0x5f: {  	_ =	shalt  }
0x60: {  	_ =	shalt  }
0x61: {  	_ =	shalt  }
0x62: {  	_ =	shalt  }
0x63: {  	_ =	shalt  }
0x64: {  	_ =	shalt  }
0x65: {  	_ =	shalt  }
0x66: {  	_ =	shalt  }
0x67: {  	_ =	shalt  }
0x68: {  	_ =	shalt  }
0x69: {  	_ =	shalt  }
0x6a: {  	_ =	shalt  }
0x6b: {  	_ =	shalt  }
0x6c: {  	_ =	shalt  }
0x6d: {  	_ =	shalt  }
0x6e: {  	_ =	shalt  }
0x6f: {  	_ =	shalt  }
0x70: {  	_ =	shalt  }
0x71: {  	_ =	shalt  }
0x72: {  	_ =	shalt  }
0x73: {  	_ =	shalt  }
0x74: {  	_ =	shalt  }
0x75: {  	_ =	shalt  }
0x76: {  	_ =	shalt  }
0x77: {  	_ =	shalt  }
0x78: {  	_ =	shalt  }
0x79: {  	_ =	shalt  }
0x7a: {  	_ =	shalt  }
0x7b: {  	_ =	shalt  }
0x7c: {  	_ =	shalt  }
0x7d: {  	_ =	shalt  }
0x7e: {  	_ =	shalt  }
0x7f: {  	_ =	shalt  }
0x80: {  	_ =	shalt  }
0x81: {  	_ =	shalt  }
0x82: {  	_ =	shalt  }
0x83: {  	_ =	shalt  }
0x84: {  	_ =	shalt  }
0x85: {  	_ =	shalt  }
0x86: {  	_ =	shalt  }
0x87: {  	_ =	shalt  }
.Lfunc_end0:
.L_simem_size_0:
called_computation_lowered:
.L_overlay_start_0:
0x88: {  	s2 =	sld [smem:$0x3FD9]  }
0x89: {  	s3 =	sld [smem:$0x3FFE];
	_ =	sdelay $0x1  }
0x8a: {  	s1 =	srdreg.scid  }
0x8b: {  	s0 =	sand.u32 $0x1, s1  }
0x8c: {  	s18 =	sshll.u32 s0, $0xA;
	s2 =	sadd.s32 s3, s2  }
0x8d: {  	s2 =	sadd.s32 s2, s18  }
0x8e: {  	[smem:$0x3FC4] =	sst s2  }
0x8f: {  	_ = 	snop  }
0x90: {  	s2 =	sld [smem:$0x3FC9]  }
0x91: {  	s19 =	sld [smem:$0x3FC8]  }
0x92: {  	s4 =	sld [smem:$0x3FC7]  }
0x93: {  	s5 =	sld [smem:$0x3FC6]  }
0x94: {  	s6 =	sld [smem:$0x3FD0];
	(tm) =	ssettm $0x1  }
0x95: {  	s7 =	sld [smem:$0x3FFB];
	_ =	sdelay $0x3  }
0x96: {  	_ =	strace s7  }
0x97: {  	s7 =	sld [smem:$0x3FFC];
	_ =	sdelay $0x3  }
0x98: {  	_ =	strace s7  }
0x99: {  	s7 =	sld [smem:$0x3FFD];
	_ =	sdelay $0x3  }
0x9a: {  	_ =	strace s7  }
0x9b: {  	_ =	strace $0x8FFFFFFF  }
0x9c: {  	s20 =	sld [smem:$0x3FDB];
	_ =	sdelay $0x1  }
0x9d: {  	s8 =	simm.s32 $_scs_section_size  }
0x9e: {  	s9 =	simm.s32 $_size__tile_overlayer_lowered;
	s10 =	simm.s32 $_tile_overlayer_lowered  }
0x9f: {  	s23 =	simm.s32 $0x1BFF;
	s22 =	sshll.u32 s10, $0x1;
	s7 =	sadd.s32 s8, s20  }
0xa0: {  	s11 =	simm.s32 $0x0;
	s21 =	sshll.u32 s9, $0x1;
	s9 =	sadd.s32 s22, s7  }
0xa1: {  	[timem:s11], [sflag:s23] =	dma.local [hbm:s9], s21  }
0xa2: {  	_ =	swait.ge [sflag:s23], s21  }
0xa3: {  	s8 =	ssub.s32 $0x0, s21;
	[sflag:s23] =	ssyncset.done $0x0  }
0xa4: {  	[sflag:s23] =	ssyncadd.s32 s8;
	_ =	sdelay $0x1  }
0xa5: {  	s24 =	simm.s32 $0x1B8B  }
0xa6: {  	_ =	swait.ge [sflag:s24], $0x1  }
0xa7: {  	[sflag:s24] =	ssyncset.done $0x0  }
0xa8: {  	s25 =	simm.s32 $0x1B8E;
	[sflag:s24] =	ssyncadd.s32 $0xFFFFFFFF  }
0xa9: {  	s26 =	simm.s32 $execute0_lowered;
	[smem:$0x3FD2] =	sst s25  }
0xaa: {  	s8 =	sshll.u32 s26, $0x1;
	_ =	strace $0x80000046;
	[dreg:$0x1] =	wrdreg $0xFFFFFFFF  }
0xab: {  	s28 =	simm.s32 $_size_execute0_lowered;
	s7 =	sadd.s32 s7, s8;
	[dreg:$0x0] =	wrdreg $0x0  }
0xac: {  	s8 =	sshll.u32 s28, $0x1;
	[dreg:$0x2] =	wrdreg s7  }
0xad: {  	[dreg:$0x3] =	wrdreg s8  }
0xae: {  	[dreg:$0x4] =	wrdreg $0xC0  }
0xaf: {  	_ =	task [dreg:s11], $0x5FFFF  }
0xb0: {  	[dreg:$0x1] =	wrdreg $0xFFFFFFFF  }
0xb1: {  	[dreg:$0x0] =	wrdreg $0x60  }
0xb2: {  	[dreg:$0x2] =	wrdreg s2  }
0xb3: {  	[dreg:$0x3] =	wrdreg s19  }
0xb4: {  	[dreg:$0x4] =	wrdreg s4  }
0xb5: {  	[dreg:$0x5] =	wrdreg s5  }
0xb6: {  	[dreg:$0x6] =	wrdreg s6  }
0xb7: {  	[dreg:$0x7] =	wrdreg $0x9  }
0xb8: {  	_ =	task.clear_ibuf [dreg:s11], $0x8FFFF;
	_ =	strace $0x90000046  }
0xb9: {  	s29 =	simm.s32 $0x9;
	_ =	strace $0x80000048  }
0xba: {  	_ =	swait.ge [sflag:s29], $0x1  }
0xbb: {  	[sflag:s29] =	ssyncadd.s32 $0xFFFFFFFF  }
0xbc: {  	_ =	strace $0x90000048  }
0xbd: {  	_ =	sfence  }
0xbe: {  	s30 =	sld [smem:$0x0];
	_ =	sdelay $0x2  }
0xbf: {  	s31 =	sshll.u32 s1, $0xD;
	s1 =	sshrl.u32 s1, $0x2  }
0xc0: {  	s3 =	sand.u32 $0x4000, s31;
	s1 =	sadd.s32 s1, s30  }
0xc1: {  	s0 =	sor.u32 s3, s0;
	s1 =	sshll.u32 s1, $0x11  }
0xc2: {  	s0 =	sor.u32 s1, s0  }
0xc3: {  	s0 =	sadd.s32 $0x8F2B, s0  }
0xc4: {  	[sflag:s0] =	ssyncadd.remote.s32 $0x1  }
0xc5: {  	_ =	sfence.sel $0xFFFF  }
0xc6: {  	[dreg:$0x0] =	wrdreg $0xFFFFFFFF;
	(pc) =	sbr.abs _section_cstart, $3  }
0xc7: {  	[dreg:$0x1] =	wrdreg $0xFFFFFFFF  }
0xc8: {  	_ =	task.clear_ibuf [dreg:s11], $0x2FFFF;
	_ =	strace $0x9FFFFFFF  }
0xc9: {  	(tm) =	ssettm $0x7FFFFFFF  }
tec
execute0_lowered:
.L_overlay_start_1:
0x0: {  	(tag) =	ssettag $0x1  }
0x1: {  	s5 =	rddreg [dreg:$0x0]  }
0x2: {  	s6 =	rddreg [dreg:$0x1]  }
0x3: {  	v0 =	vimm.s32 $0xFEDCBA98;
	s0 =	rddreg [dreg:$0x2];
	v1 =	vimm.s32 $0x76543210  }
0x4: {  	s1 =	rddreg [dreg:$0x3];
	v2 =	vimm.s32 $0xBA98FEDC;
	v3 =	vimm.s32 $0x32107654;
	v4 =	vimm.s32 $0xDCFE98BA  }
0x5: {  	s7 =	rddreg [dreg:$0x4];
	s2 =	simm.s32 $0x0;
	s3 =	srdreg.scid;
	v5 =	vimm.s32 $0x54761032;
	v6 =	vimm.s32 $0xEFCDAB89;
	v7 =	vimm.s32 $0x67452301  }
0x6: {  	s4 =	stileid.u32;
	s12 =	simm.s32 $0x80;
	s13 =	simm.s32 $0x400;
	v0 =	vunpack.c.l.s4.s8 v0;
	v1 =	vunpack.c.l.s4.s8 v1;
	v2 =	vunpack.c.l.s4.s8 v2  }
0x7: {  	s14 =	simm.s32 $0xC400;
	s15 =	simm.s32 $0x18400;
	s16 =	simm.s32 $0x9;
	v3 =	vunpack.c.l.s4.s8 v3;
	v4 =	vunpack.c.l.s4.s8 v4;
	v5 =	vunpack.c.l.s4.s8 v5  }
0x8: {  	s17 =	simm.s32 $0x4400;
	s18 =	simm.s32 $0x10400;
	[smem:$0x7FF] =	sst s2;
	v6 =	vunpack.c.l.s4.s8 v6;
	v7 =	vunpack.c.l.s4.s8 v7;
	v0 =	vunpack.c.0.s8.s32 v0  }
0x9: {  	s19 =	simm.s32 $0x0;
	s8 =	sand.u32 $0x1, s3;
	s3 =	rddreg [dreg:$0x5];
	v2 =	vunpack.c.0.s8.s32 v2;
	v3 =	vunpack.c.0.s8.s32 v3;
	v4 =	vunpack.c.0.s8.s32 v4  }
.Ltmp0:
0xa: {  	s11 =	sshll.u32 s4, $0x7;
	s9 =	ssub.s32 $0x2, s8;
	v5 =	vunpack.c.0.s8.s32 v5;
	v6 =	vunpack.c.0.s8.s32 v6;
	v7 =	vunpack.c.0.s8.s32 v7;
	(pc) =	sbr.rel .LBB2_1-.Ltmp0, $4  }
0xb: {  	s8 =	sshll.u32 s8, $0x6;
	_ =	strace $0x80000047;
	s10 =	sshrl.u32 s9, $0x1;
	v1 =	vunpack.c.0.s8.s32 v1;
	v2 =	vcombine.low v3, v2  }
0xc: {  	s8 =	sor.u32 s8, s11;
	s11 =	simm.s32 $0x2;
	s9 =	ssub.s32 s9, s10;
	v3 =	vcombine.low v5, v4;
	v4 =	vcombine.low v7, v6;
	v0 =	vand.u32 $0xF, v0  }
0xd: {  	s5 =	sadd.s32 s5, s8;
	s6 =	sadd.s32 s6, s8;
	s7 =	sadd.s32 s7, s8;
	v0 =	vcombine.low v0, v1  }
0xe: {  	s10 =	simm.s32 $0x1;
	s8 =	smax.u32 s9, $0x1;
	s9 =	simm.s32 $0x200;
	v1 =	vand.u32 $0xF, v2;
	v2 =	vand.u32 $0xF, v3;
	v3 =	vand.u32 $0xF, v4  }
.LBB2_14:
0xf: {  	s19 =	sadd.s32 $0x1, s19  }
0x10: {  	p0 =	sne.s32 s19, s8  }
.Ltmp1:
0x11: {  	_ = 	snop;
	(pc) =	sbr.rel @!p0 .LBB2_15-.Ltmp1, $4  }
0x12: {  	[hbm4b:s7+s2] =	stream.linear.scatter [tilespmem:s15], [sflag:$0x9], $0x200, $0x38;
	[tilespmem:$0x18600] =	vst v63  }
0x13: {  	_ =	swait.ge [sflag:s16], $0x200  }
0x14: {  	[sflag:s16] =	ssyncset.done $0x0  }
0x15: {  	[sflag:s16] =	ssyncadd.s32 $0xFFFFFE00  }
.LBB2_1:
0x16: {  	[tilespmem:s2], [sflag:$0x1] =	stream.linear.gather [hbm4b:s5+s2], $0x200, $0x38;
	[tilespmem:$0x18600] =	vst v63  }
0x17: {  	_ = 	snop  }
0x18: {  	[tilespmem:s9], [sflag:$0x2] =	stream.linear.gather [hbm4b:s6+s2], $0x200, $0x38;
	[tilespmem:$0x18600] =	vst v63  }
0x19: {  	_ =	swait.ge [sflag:s10], $0x200  }
.Ltmp2:
0x1a: {  	[sflag:s10] =	ssyncset.done $0x0;
	(pc) =	sbr.rel .LBB2_2-.Ltmp2, $4  }
0x1b: {  	[sflag:s10] =	ssyncadd.s32 $0xFFFFFE00  }
0x1c: {  	_ =	swait.ge [sflag:s11], $0x200  }
0x1d: {  	[sflag:s11] =	ssyncset.done $0x0  }
0x1e: {  	s20 =	simm.s32 $0x0;
	s22 =	simm.s32 $0x0;
	[sflag:s11] =	ssyncadd.s32 $0xFFFFFE00  }
.LBB2_13:
0x1f: {  	p0 =	sne.s32 s21, $0x6  }
.Ltmp3:
0x20: {  	_ = 	snop;
	(pc) =	sbr.rel @!p0 .LBB2_14-.Ltmp3, $2  }
0x21: {  	_ =	sdelay $0x2  }
0x22: {  	s20 =	sadd.s32 $0x80, s20;
	s22 =	smov.u32 s21  }
.LBB2_2:
0x23: {  	s21 =	sadd.s32 $0xFFFFFFFD, s22  }
0x24: {  	p0 =	sgt.u32 s22, $0x3;
	s21 =	smin.u32 s22, s21  }
0x25: {  	p1 =	sne.s32 @!p0 s21, $0x0  }
0x26: {  	p1 =	por p0, p1  }
.Ltmp4:
0x27: {  	_ = 	snop;
	(pc) =	sbr.rel @p1 .LBB2_4-.Ltmp4, $1  }
0x28: {  	_ =	sdelay $0x3  }
.Ltmp5:
0x29: {  	(pc) =	sbr.rel .LBB2_7-.Ltmp5, $4  }
0x2a: {  	s21 =	sshll.u32 s22, $0x7  }
0x2b: {  	[tilespmem:s13], [sflag:$0x3] =	stream.indirect.gather [hbm4b:s0+s12], $0x80, s21, s12, $0xb8;
	[tilespmem:$0x18600] =	vst v63  }
0x2c: {  	s21 =	sadd.s32 $0x200, s21  }
0x2d: {  	[tilespmem:s14], [sflag:$0x6] =	stream.indirect.gather [hbm4b:s1+s12], $0x80, s21, s12, $0xb8;
	[tilespmem:$0x18600] =	vst v63  }
.LBB2_4:
0x2e: {  	p1 =	sne.s32 @!p0 s21, $0x1  }
0x2f: {  	p1 =	por p0, p1  }
.Ltmp6:
0x30: {  	_ = 	snop;
	(pc) =	sbr.rel @p1 .LBB2_6-.Ltmp6, $1  }
0x31: {  	_ =	sdelay $0x3  }
.Ltmp7:
0x32: {  	(pc) =	sbr.rel .LBB2_7-.Ltmp7, $4  }
0x33: {  	s21 =	sshll.u32 s22, $0x7  }
0x34: {  	[tilespmem:s17], [sflag:$0x4] =	stream.indirect.gather [hbm4b:s0+s12], $0x80, s21, s12, $0xb8;
	[tilespmem:$0x18600] =	vst v63  }
0x35: {  	s21 =	sadd.s32 $0x200, s21  }
0x36: {  	[tilespmem:s18], [sflag:$0x7] =	stream.indirect.gather [hbm4b:s1+s12], $0x80, s21, s12, $0xb8;
	[tilespmem:$0x18600] =	vst v63  }
.LBB2_6:
0x37: {  	p1 =	sne.s32 @!p0 s21, $0x2  }
0x38: {  	p0 =	por p1, p0  }
0x39: {  	s21 =	sshll.u32 @!p0 s22, $0x7;
	s23 =	simm.s32 @!p0 $0x80;
	s24 =	simm.s32 @!p0 $0x8400  }
0x3a: {  	[tilespmem:s24], [sflag:$0x5] =	stream.indirect.gather @!p0 [hbm4b:s0+s23], $0x80, s21, s23, $0xb8;
	[tilespmem:$0x18600] =	vst v63  }
0x3b: {  	s21 =	sadd.s32 @!p0 $0x200, s21;
	s24 =	simm.s32 @!p0 $0x14400  }
0x3c: {  	[tilespmem:s24], [sflag:$0x8] =	stream.indirect.gather @!p0 [hbm4b:s1+s23], $0x80, s21, s23, $0xb8;
	[tilespmem:$0x18600] =	vst v63  }
.LBB2_7:
0x3d: {  	s21 =	sadd.s32 $0x1, s22  }
0x3e: {  	s23 =	smul.u32 $0xAB, s21;
	_ =	sdelay $0x1  }
0x3f: {  	s23 =	sshrl.u32 s23, $0x9  }
0x40: {  	s23 =	sand.u32 $0x7F, s23  }
0x41: {  	s23 =	smul.u32 $0x3, s23;
	_ =	sdelay $0x1  }
0x42: {  	p0 =	slt.u32 s22, $0x2;
	s23 =	ssub.s32 s21, s23  }
0x43: {  	s24 =	sand.u32 @!p0 $0xFF, s23  }
0x44: {  	p1 =	seq.s32 @!p0 s24, $0x0  }
0x45: {  	p0 =	por p0, !p1  }
0x46: {  	p1 =	slt.u32 @p0 s22, $0x2  }
0x47: {  	p2 =	por p1, !p0  }
0x48: {  	s24 =	sand.u32 @!p2 $0xFF, s23  }
0x49: {  	p2 =	seq.s32 @!p2 s24, $0x1  }
0x4a: {  	p1 =	por @p0 p1, !p2  }
0x4b: {  	p1 =	por !p0, !p1  }
0x4c: {  	p2 =	slt.u32 @!p1 s22, $0x2  }
0x4d: {  	p3 =	por p2, p1  }
0x4e: {  	s23 =	sand.u32 @!p3 $0xFF, s23  }
0x4f: {  	p3 =	seq.s32 @!p3 s23, $0x2  }
0x50: {  	p2 =	por @!p1 p2, !p3  }
0x51: {  	p2 =	por p1, !p2  }
.Ltmp8:
0x52: {  	_ = 	snop;
	(pc) =	sbr.rel @!p2 .LBB2_8-.Ltmp8, $1  }
0x53: {  	_ =	sdelay $0x3  }
0x54: {  	s23 =	simm.s32 $0x3  }
0x55: {  	s23 =	simm.s32 @p0 $0x4  }
0x56: {  	s23 =	simm.s32 @!p1 $0x5  }
0x57: {  	s24 =	simm.s32 $0x6;
	_ =	swait.ge [sflag:s23], $0x4000  }
0x58: {  	s24 =	simm.s32 @p0 $0x7;
	[sflag:s23] =	ssyncset.done $0x0  }
0x59: {  	s24 =	simm.s32 @!p1 $0x8;
	[sflag:s23] =	ssyncadd.s32 $0xFFFFC000  }
0x5a: {  	_ =	swait.ge [sflag:s24], $0x4000  }
0x5b: {  	[sflag:s24] =	ssyncset.done $0x0  }
0x5c: {  	[sflag:s24] =	ssyncadd.s32 $0xFFFFC000  }
.LBB2_10:
0x5d: {  	s23 =	sadd.s32 $0xFFFFFFFE, s22  }
0x5e: {  	s22 =	sadd.s32 $0xFFFFFFFB, s22;
	p0 =	slt.u32 s23, $0x3  }
0x5f: {  	s22 =	smov.u32 @p0 s23  }
0x60: {  	s22 =	sshll.u32 s22, $0x10  }
0x61: {  	s22 =	sshra.s32 s22, $0x2  }
0x62: {  	s25 =	sor.u32 $0x480, s22  }
0x63: {  	s22 =	sadd.s32 $0xC480, s22;
	v5 =	vld [tilespmem:s25+$0x0]  }
0x64: {  	v6 =	vld [tilespmem:s22+$0x0]  }
0x65: {  	v7 =	vld [tilespmem:s25+$0x10]  }
0x66: {  	v8 =	vld [tilespmem:s22+$0x10]  }
0x67: {  	v9 =	vld [tilespmem:s25+$0x20]  }
0x68: {  	v10 =	vld [tilespmem:s22+$0x20]  }
0x69: {  	v11 =	vld [tilespmem:s25+$0x30]  }
0x6a: {  	v12 =	vld [tilespmem:s22+$0x30]  }
0x6b: {  	v13 =	vld [tilespmem:s25+$0x40]  }
0x6c: {  	v14 =	vld [tilespmem:s22+$0x40]  }
0x6d: {  	v15 =	vld [tilespmem:s25+$0x50]  }
0x6e: {  	v16 =	vld [tilespmem:s22+$0x50]  }
0x6f: {  	v17 =	vld [tilespmem:s25+$0x60]  }
0x70: {  	v18 =	vld [tilespmem:s22+$0x60]  }
0x71: {  	v19 =	vld [tilespmem:s25+$0x70]  }
0x72: {  	v20 =	vld [tilespmem:s22+$0x70]  }
0x73: {  	v4 =	vld [tilespmem:s22+$0xFFFFFF80]  }
0x74: {  	v21 =	vld [tilespmem:s25+$0xFFFFFF90];
	v5 =	vmul.f32 v6, v5;
	v6 =	vmul.f32 v8, v7  }
0x75: {  	v22 =	vld [tilespmem:s22+$0xFFFFFF90];
	v7 =	vmul.f32 v10, v9;
	v8 =	vmul.f32 v12, v11  }
0x76: {  	v62 =	vld [tilespmem:s22+$0xFFFFFFD0];
	v10 =	vmul.f32 v14, v13;
	v11 =	vmul.f32 v16, v15  }
0x77: {  	v9 =	vld [tilespmem:s25+$0xFFFFFFA0];
	v13 =	vmul.f32 v18, v17;
	v14 =	vmul.f32 v20, v19  }
0x78: {  	v12 =	vld [tilespmem:s22+$0xFFFFFFA0];
	v5 =	vadd.f32 v6, v5;
	v6 =	vadd.f32 v8, v7  }
0x79: {  	v15 =	vld [tilespmem:s25+$0xFFFFFFB0];
	v7 =	vadd.f32 v11, v10;
	v10 =	vadd.f32 v14, v13  }
0x7a: {  	v8 =	vld [tilespmem:s22+$0xFFFFFFB0]  }
0x7b: {  	v11 =	vld [tilespmem:s25+$0xFFFFFFC0];
	v5 =	vadd.f32 v6, v5;
	v6 =	vadd.f32 v10, v7  }
0x7c: {  	v13 =	vld [tilespmem:s22+$0xFFFFFFC0]  }
0x7d: {  	v14 =	vld [tilespmem:s25+$0xFFFFFFD0];
	v10 =	vadd.f32 v6, v5  }
0x7e: {  	v7 =	vld [tilespmem:s25+$0xFFFFFFE0]  }
0x7f: {  	v6 =	vmul.f32 v12, v9;
	v9 =	vld [tilespmem:s22+$0xFFFFFFE0];
	v63 =	vperm.xlane v10, v0  }
0x80: {  	v12 =	vld [tilespmem:s22+$0xFFFFFFF0];
	v15 =	vmul.f32 v8, v15  }
0x81: {  	v5 =	vmul.f32 v22, v21;
	v8 =	vld [tilespmem:s25+$0xFFFFFFF0];
	v10 =	vadd.f32 v10, v63  }
0x82: {  	s24 =	simm.s32 $0x0;
	s23 =	simm.s32 $0xFFFFFFFE;
	v11 =	vmul.f32 v13, v11;
	v13 =	vld [tilespmem:s25+$0xFFFFFF80];
	v14 =	vmul.f32 v62, v14;
	s25 =	sadd.s32 $0x100, s25;
	v6 =	vadd.f32 v15, v6  }
.LBB2_11:
0x83: {  	v15 =	vld [tilespmem:s25+$0x0];
	v16 =	vperm.xlane v10, v1;
	s22 =	sadd.s32 $0x100, s22  }
0x84: {  	v17 =	vld [tilespmem:s22+$0x0];
	v7 =	vmul.f32 v9, v7;
	v9 =	vadd.f32 v14, v11  }
0x85: {  	v11 =	vld [tilespmem:s25+$0x10];
	v10 =	vadd.f32 v10, v16  }
0x86: {  	v14 =	vld [tilespmem:s22+$0x10];
	v8 =	vmul.f32 v12, v8  }
0x87: {  	v12 =	vld [tilespmem:s25+$0x20];
	v4 =	vmul.f32 v4, v13;
	v13 =	vperm.xlane v10, v2  }
0x88: {  	s26 =	sadd.s32 s23, s20;
	s23 =	smov.u32 s24;
	v16 =	vld [tilespmem:s22+$0x20];
	v7 =	vadd.f32 v8, v7  }
0x89: {  	s28 =	sadd.s32 $0xFFFFFF02, s26;
	s26 =	sadd.s32 $0xFFFFFF03, s26;
	v8 =	vld [tilespmem:s25+$0x30];
	v4 =	vadd.f32 v5, v4;
	v5 =	vadd.f32 v10, v13  }
0x8a: {  	v13 =	vmov s26;
	v10 =	vld [tilespmem:s22+$0x30];
	v7 =	vadd.f32 v7, v9;
	v9 =	vmov s28  }
0x8b: {  	v18 =	vld [tilespmem:s25+$0x40];
	v4 =	vadd.f32 v6, v4;
	v6 =	vand.u32 $0xFFFFFFFE, v9;
	v9 =	vperm.xlane v5, v3  }
0x8c: {  	v19 =	vld [tilespmem:s22+$0x40];
	v20 =	vbroadcast v6, $0x0  }
0x8d: {  	v6 =	vld [tilespmem:s25+$0x50];
	v4 =	vadd.f32 v7, v4;
	v5 =	vadd.f32 v5, v9  }
0x8e: {  	v7 =	vld [tilespmem:s22+$0x50]  }
0x8f: {  	v9 =	vld [tilespmem:s25+$0x60];
	v21 =	vperm.xlane v4, v0;
	[tilespmem:v13+s15+$0x0] =	vst.idx.msk $0x1, v5  }
0x90: {  	v5 =	vld [tilespmem:s22+$0x60]  }
0x91: {  	v13 =	vld [tilespmem:s25+$0x70];
	v21 =	vadd.f32 v4, v21  }
0x92: {  	s24 =	sadd.s32 $0x2, s24;
	v22 =	vld [tilespmem:s22+$0x70]  }
0x93: {  	p0 =	slt.u32 s24, $0x7E;
	v4 =	vld [tilespmem:s22+$0xFFFFFF80];
	v23 =	vperm.xlane v21, v1  }
0x94: {  	v15 =	vmul.f32 v17, v15;
	v11 =	vmul.f32 v14, v11;
	v24 =	vld [tilespmem:s25+$0xFFFFFF90]  }
0x95: {  	v12 =	vmul.f32 v16, v12;
	v8 =	vmul.f32 v10, v8;
	v14 =	vld [tilespmem:s22+$0xFFFFFF90];
	v10 =	vadd.f32 v21, v23  }
0x96: {  	v17 =	vmul.f32 v19, v18;
	v6 =	vmul.f32 v7, v6;
	v16 =	vld [tilespmem:s25+$0xFFFFFFA0]  }
0x97: {  	v5 =	vmul.f32 v5, v9;
	v7 =	vld [tilespmem:s22+$0xFFFFFFA0];
	v9 =	vmul.f32 v22, v13  }
0x98: {  	v11 =	vadd.f32 v11, v15;
	v8 =	vadd.f32 v8, v12;
	v12 =	vperm.xlane v10, v2;
	v13 =	vld [tilespmem:s25+$0xFFFFFFB0]  }
0x99: {  	v6 =	vadd.f32 v6, v17;
	v15 =	vld [tilespmem:s22+$0xFFFFFFB0];
	v9 =	vadd.f32 v9, v5  }
0x9a: {  	v10 =	vadd.f32 v10, v12;
	v5 =	vmul.f32 v14, v24;
	v14 =	vld [tilespmem:s25+$0xFFFFFFC0]  }
0x9b: {  	v8 =	vadd.f32 v8, v11;
	v12 =	vld [tilespmem:s22+$0xFFFFFFC0];
	v6 =	vadd.f32 v9, v6  }
0x9c: {  	v9 =	vperm.xlane v10, v3;
	v16 =	vmul.f32 v7, v16;
	v17 =	vld [tilespmem:s25+$0xFFFFFFD0]  }
0x9d: {  	v18 =	vld [tilespmem:s22+$0xFFFFFFD0];
	v19 =	vadd.f32 v6, v8  }
.Ltmp9:
0x9e: {  	v10 =	vadd.f32 v10, v9;
	v6 =	vmul.f32 v15, v13;
	v7 =	vld [tilespmem:s25+$0xFFFFFFE0];
	(pc) =	sbr.rel @p0 .LBB2_11-.Ltmp9, $4  }
0x9f: {  	v9 =	vld [tilespmem:s22+$0xFFFFFFE0];
	v13 =	vperm.xlane v19, v0  }
0xa0: {  	v11 =	vmul.f32 v12, v14;
	v8 =	vld [tilespmem:s25+$0xFFFFFFF0];
	v6 =	vadd.f32 v6, v16;
	[tilespmem:v20+s15+$0x0] =	vst.idx.msk $0x1, v10  }
0xa1: {  	v12 =	vld [tilespmem:s22+$0xFFFFFFF0];
	v10 =	vadd.f32 v19, v13  }
0xa2: {  	v13 =	vld [tilespmem:s25+$0xFFFFFF80];
	v14 =	vmul.f32 v18, v17;
	s25 =	sadd.s32 $0x100, s25  }
0xa3: {  	_ =	sdelay $0x2  }
0xa4: {  	v7 =	vmul.f32 v9, v7  }
0xa5: {  	v8 =	vmul.f32 v12, v8;
	v4 =	vmul.f32 v4, v13  }
0xa6: {  	v55 =	vadd.f32 v14, v11  }
0xa7: {  	v7 =	vadd.f32 v8, v7;
	v4 =	vadd.f32 v5, v4;
	_ =	sdelay $0x1  }
0xa8: {  	v5 =	vadd.f32 v7, v55;
	v4 =	vadd.f32 v6, v4;
	_ =	sdelay $0x1  }
0xa9: {  	v4 =	vadd.f32 v5, v4;
	_ =	sdelay $0x1  }
0xaa: {  	v5 =	vperm.xlane v4, v0;
	_ =	sdelay $0x1  }
0xab: {  	v4 =	vadd.f32 v4, v5  }
0xac: {  	v5 =	vperm.xlane v10, v1  }
0xad: {  	v56 =	vperm.xlane v4, v1  }
0xae: {  	v5 =	vadd.f32 v10, v5  }
0xaf: {  	s22 =	sadd.s32 s23, s20;
	v4 =	vadd.f32 v4, v56  }
0xb0: {  	s23 =	sadd.s32 $0xFFFFFF02, s22;
	v57 =	vperm.xlane v5, v2  }
0xb1: {  	v58 =	vmov s23;
	v59 =	vperm.xlane v4, v2  }
0xb2: {  	s22 =	sadd.s32 $0xFFFFFF03, s22;
	v60 =	vand.u32 $0xFFFFFFFE, v58;
	v5 =	vadd.f32 v5, v57  }
0xb3: {  	v61 =	vmov s22;
	v6 =	vbroadcast v60, $0x0;
	v4 =	vadd.f32 v4, v59  }
0xb4: {  	v62 =	vperm.xlane v5, v3  }
.Ltmp10:
0xb5: {  	v63 =	vperm.xlane v4, v3;
	(pc) =	sbr.rel .LBB2_13-.Ltmp10, $4  }
0xb6: {  	v5 =	vadd.f32 v5, v62  }
0xb7: {  	v4 =	vadd.f32 v4, v63  }
0xb8: {  	[tilespmem:v61+s15+$0x0] =	vst.idx.msk $0x1, v5  }
0xb9: {  	[tilespmem:v6+s15+$0x0] =	vst.idx.msk $0x1, v4  }
.LBB2_8:
0xba: {  	p0 =	sgt.u32 s22, $0x1  }
.Ltmp11:
0xbb: {  	_ = 	snop;
	(pc) =	sbr.rel @p0 .LBB2_10-.Ltmp11, $4  }
.Ltmp12:
0xbc: {  	_ = 	snop;
	(pc) =	sbr.rel @!p0 .LBB2_13-.Ltmp12, $4  }
0xbd: {  	_ = 	snop  }
0xbe: {  	_ = 	snop  }
0xbf: {  	_ = 	snop  }
0xc0: {  	_ = 	snop  }
.LBB2_15:
0xc1: {  	_ =	sfence.sel $0x180000  }
0xc2: {  	[bflag:$0x0] =	sbarrier.arrive $0xFFFF  }
0xc3: {  	p0 =	sne.s32 s4, $0x0;
	_ =	strace $0x90000047  }
0xc4: {  	s0 =	sadd.s32 @!p0 $0x100000, s3;
	[bflag:$0x2] =	sbarrier.arrive $0xFFFF  }
0xc5: {  	[sflag:s0] =	ssyncadd.tile.s32 @!p0 $0x1;
	_ =	shalt  }
.Lfunc_end2:
_tile_overlayer_lowered:
.L_overlay_start_2:
0xc6: {  	(tag) =	ssettag $0x2  }
0xc7: {  	s0 =	rddreg [dreg:$0x0];
	s2 =	stileid.u32  }
0xc8: {  	s1 =	rddreg [dreg:$0x1];
	p0 =	sne.s32 s2, $0x0  }
0xc9: {  	s3 =	rddreg [dreg:$0x2];
	[bflag:$0x3] =	sbarrier.arrive $0xFFFF;
	s2 =	simm.s32 @!p0 $0x1C09  }
0xca: {  	[timem:s3], [sflag:s2] =	dma.local @!p0 [hbm:s0], s1  }
0xcb: {  	s0 =	simm.s32 @!p0 $0x9  }
0xcc: {  	_ =	swait.ge @!p0 [sflag:s0], s1  }
0xcd: {  	s1 =	ssub.s32 @!p0 $0x0, s1;
	[sflag:s0] =	ssyncset.done @!p0 $0x0  }
0xce: {  	[sflag:s0] =	ssyncadd.s32 @!p0 s1  }
0xcf: {  	[bflag:$0x3] =	sbarrier.arrive $0xFFFF  }
0xd0: {  	_ =	shalt  }

</sc_bundles>
